<compile_context>
chip_gen: v7x
topology: tpu7x:2x2x1
jax: 0.10.2.dev20260603
libtpu: 0.0.44.dev20260713+nightly
codegen_flags: <defaults>
</compile_context>

<pallas_src>
import functools

import jax
import jax.numpy as jnp
from jax import lax
from jax.experimental import pallas as pl
from jax.experimental.pallas import tpu as pltpu
from jax.experimental.pallas import tpu_sc as plsc

N = 10000
NP = 10240
D = 256
H = 128
B = 1024
OBS = 512
E = 320000
EP = 327680
NS = 16
K = 128
NB = 16
R = 2
CHUNKS_PER_SC = EP // K // 2
CHUNKS_PER_SUB = CHUNKS_PER_SC // NS
ROWS_PER_SUB = NP // NS


def _encode_body(x_ref, w_ref, b_ref, e_ref):
    y = jnp.dot(x_ref[...], w_ref[...], preferred_element_type=jnp.float32)
    e_ref[...] = jnp.tanh(y + b_ref[...]).astype(jnp.bfloat16)


def _encode(node_feat_p, w_node, b_node2):
    blk = NP // 4
    return pl.pallas_call(
        _encode_body,
        grid=(4,),
        in_specs=[
            pl.BlockSpec((blk, H), lambda i: (i, 0)),
            pl.BlockSpec((H, D), lambda i: (0, 0)),
            pl.BlockSpec((1, D), lambda i: (0, 0)),
        ],
        out_specs=[pl.BlockSpec((blk, D), lambda i: (i, 0))],
        out_shape=[jax.ShapeDtypeStruct((NP, D), jnp.bfloat16)],
    )(node_feat_p, w_node, b_node2)[0]


def _obs_body(obs_ref, wo_ref, bo_ref, of_ref):
    of_ref[...] = jnp.tanh(
        jnp.dot(obs_ref[...], wo_ref[...], preferred_element_type=jnp.float32)
        + bo_ref[...]
    )


def _obs_proj(obs_vec, w_obs, b_obs2):
    return pl.pallas_call(
        _obs_body,
        out_shape=[jax.ShapeDtypeStruct((B, D), jnp.float32)],
    )(obs_vec, w_obs, b_obs2)[0]


def _sc_message(enc3, zro3, src2, dst2):
    mesh = plsc.VectorSubcoreMesh(core_axis_name="c", subcore_axis_name="s")

    @functools.partial(
        pl.kernel,
        mesh=mesh,
        compiler_params=pltpu.CompilerParams(use_tc_tiling_on_sc=False),
        out_type=[jax.ShapeDtypeStruct((NP, D), jnp.bfloat16)] * 2,
        scratch_types=[
            pltpu.VMEM((NB, K), jnp.int32),
            pltpu.VMEM((NB, K), jnp.int32),
            pltpu.VMEM((R, K, D), jnp.bfloat16),
            pltpu.VMEM_SHARED((NP, D), jnp.bfloat16),
            pltpu.SemaphoreType.DMA,
            pltpu.SemaphoreType.DMA,
        ],
    )
    def k(enc_hbm, zro_hbm, src_hbm, dst_hbm, p0_hbm, p1_hbm,
          sidx, didx, rows, acc, sem0, sem1):
        c = lax.axis_index("c")
        s = lax.axis_index("s")
        row0 = s * ROWS_PER_SUB
        sems_g = (sem0, sem1)

        @pl.when(c == 0)
        def _():
            pltpu.sync_copy(
                enc_hbm.at[pl.ds(row0, ROWS_PER_SUB)],
                acc.at[pl.ds(row0, ROWS_PER_SUB)],
            )

        @pl.when(c == 1)
        def _():
            pltpu.sync_copy(
                zro_hbm.at[pl.ds(row0, ROWS_PER_SUB)],
                acc.at[pl.ds(row0, ROWS_PER_SUB)],
            )

        plsc.subcore_barrier()

        def block(b, carry):
            base_row = c * CHUNKS_PER_SC + s * CHUNKS_PER_SUB + b * NB
            pltpu.sync_copy(src_hbm.at[pl.ds(base_row, NB)], sidx)
            pltpu.sync_copy(dst_hbm.at[pl.ds(base_row, NB)], didx)
            hg = [None] * NB
            for j in range(R):
                hg[j] = pltpu.async_copy(
                    enc_hbm.at[sidx.at[j]], rows.at[j], sems_g[j])
            for j in range(NB):
                hg[j].wait()
                pltpu.sync_copy(rows.at[j % R], acc.at[didx.at[j]],
                                add=True)
                nj = j + R
                if nj < NB:
                    hg[nj] = pltpu.async_copy(
                        enc_hbm.at[sidx.at[nj]], rows.at[nj % R],
                        sems_g[nj % R])
            return carry

        lax.fori_loop(0, CHUNKS_PER_SUB // NB, block, 0)

        plsc.subcore_barrier()

        @pl.when(c == 0)
        def _():
            pltpu.sync_copy(
                acc.at[pl.ds(row0, ROWS_PER_SUB)],
                p0_hbm.at[pl.ds(row0, ROWS_PER_SUB)],
            )

        @pl.when(c == 1)
        def _():
            pltpu.sync_copy(
                acc.at[pl.ds(row0, ROWS_PER_SUB)],
                p1_hbm.at[pl.ds(row0, ROWS_PER_SUB)],
            )

    return k(enc3, zro3, src2, dst2)


def _pool_body(p0_ref, p1_ref, wg_ref, bg_ref, attn_ref, pooled_ref):
    nr0 = (p0_ref[:N, :H].astype(jnp.float32)
           + p1_ref[:N, :H].astype(jnp.float32))
    nr1 = (p0_ref[:N, H:].astype(jnp.float32)
           + p1_ref[:N, H:].astype(jnp.float32))
    sc = (
        jnp.dot(jnp.tanh(nr0), wg_ref[:H, :],
                preferred_element_type=jnp.float32)
        + jnp.dot(jnp.tanh(nr1), wg_ref[H:, :],
                  preferred_element_type=jnp.float32)
        + bg_ref[...]
    )
    m = jnp.max(sc)
    ex = jnp.exp(sc - m)
    attn = ex / jnp.sum(ex)
    attn_ref[...] = attn[:, 0]
    pool0 = lax.dot_general(attn, nr0, (((0,), (0,)), ((), ())),
                            preferred_element_type=jnp.float32)
    pool1 = lax.dot_general(attn, nr1, (((0,), (0,)), ((), ())),
                            preferred_element_type=jnp.float32)
    pooled_ref[...] = jnp.concatenate([pool0, pool1], axis=1)


def _pool(p0, p1, w_gate, b_gate2):
    return pl.pallas_call(
        _pool_body,
        out_shape=[
            jax.ShapeDtypeStruct((N,), jnp.float32),
            jax.ShapeDtypeStruct((1, D), jnp.float32),
        ],
    )(p0, p1, w_gate, b_gate2)


def _state_body(of_ref, pooled_ref, wc_ref, bc_ref, state_ref):
    g = jnp.dot(pooled_ref[...], wc_ref[D:, :],
                preferred_element_type=jnp.float32)
    state_ref[...] = jnp.tanh(
        jnp.dot(of_ref[...], wc_ref[:D, :], preferred_element_type=jnp.float32)
        + g + bc_ref[...]
    )


def _state(obs_feat, pooled, w_comb, b_comb2):
    return pl.pallas_call(
        _state_body,
        out_shape=[jax.ShapeDtypeStruct((B, D), jnp.float32)],
    )(obs_feat, pooled, w_comb, b_comb2)[0]


def kernel(obs_vec, node_feat, edge_index, W_obs, b_obs, W_node, b_node,
           W_gate, b_gate, W_comb, b_comb):
    node_feat_p = jnp.pad(node_feat, ((0, NP - N), (0, 0)))
    pad = EP - E
    pad_iota = jnp.arange(pad, dtype=jnp.int32)
    src2 = jnp.concatenate([edge_index[:, 0], pad_iota % N]).reshape(
        EP // K, K)
    dst2 = jnp.concatenate([edge_index[:, 1], N + pad_iota % (NP - N)]
                           ).reshape(EP // K, K)

    enc3 = _encode(node_feat_p, W_node, b_node.reshape(1, D))
    obs_feat = _obs_proj(obs_vec, W_obs, b_obs.reshape(1, D))
    zro3 = jnp.zeros((NP, D), jnp.bfloat16)
    p0, p1 = _sc_message(enc3, zro3, src2, dst2)
    attn, pooled = _pool(p0, p1, W_gate, b_gate.reshape(1, 1))
    state = _state(obs_feat, pooled, W_comb, b_comb.reshape(1, D))
    return state, attn

# --- scband reference (transcript-rebuilt; emitter-appended) ---
"""Pipeline reference for scband-gnnstate-encoder-58952721105521 (READ-ONLY COPY).

The authoritative reference and input builder live on the scoring server;
editing this copy changes nothing except your own understanding.
"""

import jax, jax.numpy as jnp
import numpy as np

OBS_DIM, HIDDEN, NODE_DIM = 512, 256, 128
N_NODES, N_EDGES, BATCH = 10000, 320000, 1024


def setup_inputs(seed: int = 0) -> dict:
    key = jax.random.key(seed)
    ks = jax.random.split(key, 12)
    obs_vec = jax.random.normal(ks[0], (BATCH, OBS_DIM), dtype=jnp.float32)
    node_feat = jax.random.normal(ks[1], (N_NODES, NODE_DIM), dtype=jnp.float32)
    edge_index = jax.random.randint(ks[2], (N_EDGES, 2), 0, N_NODES, dtype=jnp.int32)
    W_obs = jax.random.normal(ks[3], (OBS_DIM, HIDDEN), dtype=jnp.float32) / np.sqrt(OBS_DIM)
    b_obs = jnp.zeros((HIDDEN,), dtype=jnp.float32)
    W_node = jax.random.normal(ks[4], (NODE_DIM, HIDDEN), dtype=jnp.float32) / np.sqrt(NODE_DIM)
    b_node = jnp.zeros((HIDDEN,), dtype=jnp.float32)
    W_gate = jax.random.normal(ks[5], (HIDDEN, 1), dtype=jnp.float32) / np.sqrt(HIDDEN)
    b_gate = jnp.zeros((1,), dtype=jnp.float32)
    W_comb = jax.random.normal(ks[6], (2 * HIDDEN, HIDDEN), dtype=jnp.float32) / np.sqrt(2 * HIDDEN)
    b_comb = jnp.zeros((HIDDEN,), dtype=jnp.float32)
    return {
        "obs_vec": obs_vec,
        "node_feat": node_feat,
        "edge_index": edge_index,
        "W_obs": W_obs, "b_obs": b_obs,
        "W_node": W_node, "b_node": b_node,
        "W_gate": W_gate, "b_gate": b_gate,
        "W_comb": W_comb, "b_comb": b_comb,
    }


def reference(obs_vec, node_feat, edge_index, W_obs, b_obs, W_node, b_node, W_gate, b_gate, W_comb, b_comb):
    # obs projection
    obs_feat = jnp.tanh(obs_vec @ W_obs + b_obs)
    # node encoding
    encoded = jnp.tanh(node_feat @ W_node + b_node)
    # message passing: scatter-add encoded[src] into dst rows
    n = encoded.shape[0]
    src = jnp.clip(edge_index[:, 0], 0, n - 1)
    dst = jnp.clip(edge_index[:, 1], 0, n - 1)
    agg = jnp.zeros_like(encoded).at[dst].add(encoded[src])
    node_repr = encoded + agg
    # gated attention pooling over all nodes
    scores = (jnp.tanh(node_repr) @ W_gate + b_gate)[:, 0]
    attn_weights = jax.nn.softmax(scores, axis=0)
    pooled = jnp.sum(node_repr * attn_weights[:, None], axis=0)
    graph_summary = jnp.broadcast_to(pooled[None, :], (obs_feat.shape[0], pooled.shape[0]))
    combined = jnp.concatenate([obs_feat, graph_summary], axis=-1)
    state = jnp.tanh(combined @ W_comb + b_comb)
    return (state, attn_weights)

if __name__ == "__main__":
    import jax
    _d = setup_inputs()
    print(jax.jit(kernel)(*tuple(_d.values())))

</pallas_src>

<mosaic_0001>
#map = affine_map<(d0, d1) -> (0, 0)>
module attributes {stable_mosaic.version = 14 : i64} {
  func.func @k(%arg0: i32, %arg1: i32, %arg2: memref<10240x256xbf16, #tpu.memory_space<hbm>>, %arg3: memref<10240x256xbf16, #tpu.memory_space<hbm>>, %arg4: memref<2560x128xi32, #tpu.memory_space<hbm>>, %arg5: memref<2560x128xi32, #tpu.memory_space<hbm>>, %arg6: memref<10240x256xbf16, #tpu.memory_space<hbm>>, %arg7: memref<10240x256xbf16, #tpu.memory_space<hbm>>, %arg8: memref<16x128xi32, #tpu.memory_space<vmem>>, %arg9: memref<16x128xi32, #tpu.memory_space<vmem>>, %arg10: memref<2x128x256xbf16, #tpu.memory_space<vmem>>, %arg11: memref<10240x256xbf16, #tpu.memory_space<vmem_shared>>, %arg12: memref<!tpu.dma_semaphore, #tpu.memory_space<semaphore_mem>>, %arg13: memref<!tpu.dma_semaphore, #tpu.memory_space<semaphore_mem>>) attributes {dimension_semantics = [#tpu.dimension_semantics<core_parallel>, #tpu.dimension_semantics<subcore_parallel>], iteration_bounds = array<i64: 2, 16>, scalar_prefetch = 0 : i64, scratch_operands = 6 : i64, tpu.core_type = #tpu.core_type<sc_vector_subcore>, window_params = [{transform_indices = #map}, {transform_indices = #map}, {transform_indices = #map}, {transform_indices = #map}, {transform_indices = #map}, {transform_indices = #map}]} {
    %mul3A = arith.constant 640 : i32
    %mul3A_0 = arith.muli %arg1, %mul3A : i32
    %eq3A = arith.constant 0 : i32
    %eq3A_1 = arith.cmpi eq, %arg0, %eq3A : i32
    %convert_element_type3A = arith.extui %eq3A_1 : i1 to i32
    %cond3A = arith.constant 0 : i32
    %cond3A_2 = arith.cmpi ne, %convert_element_type3A, %cond3A : i32
    scf.if %cond3A_2 {
      "tpu.region"() ({
        %run_scoped3A = tpu.sem_alloc : memref<!tpu.dma_semaphore, #tpu.memory_space<semaphore_mem>>
        %dma_start3A = arith.constant 0 : i32
        %dma_start3A_24 = tpu.memref_slice %arg11[%mul3A_0, %dma_start3A] : memref<10240x256xbf16, #tpu.memory_space<vmem_shared>> -> memref<640x256xbf16, #tpu.memory_space<vmem_shared>>
        %dma_start3A_25 = arith.constant 0 : i32
        %dma_start3A_26 = tpu.memref_slice %arg2[%mul3A_0, %dma_start3A_25] : memref<10240x256xbf16, #tpu.memory_space<hbm>> -> memref<640x256xbf16, #tpu.memory_space<hbm>>
        tpu.enqueue_dma source(%dma_start3A_26 : memref<640x256xbf16, #tpu.memory_space<hbm>>) target(%dma_start3A_24 : memref<640x256xbf16, #tpu.memory_space<vmem_shared>>) target_semaphore(%run_scoped3A : memref<!tpu.dma_semaphore, #tpu.memory_space<semaphore_mem>>)
        %dma_wait3A = arith.constant 0 : i32
        %dma_wait3A_27 = tpu.memref_slice %arg11[%mul3A_0, %dma_wait3A] : memref<10240x256xbf16, #tpu.memory_space<vmem_shared>> -> memref<640x256xbf16, #tpu.memory_space<vmem_shared>>
        %dma_wait3A_28 = arith.constant 0 : i32
        %dma_wait3A_29 = tpu.memref_slice %arg2[%mul3A_0, %dma_wait3A_28] : memref<10240x256xbf16, #tpu.memory_space<hbm>> -> memref<640x256xbf16, #tpu.memory_space<hbm>>
        tpu.wait_dma2 semaphore(%run_scoped3A : memref<!tpu.dma_semaphore, #tpu.memory_space<semaphore_mem>>) src(%dma_wait3A_29 : memref<640x256xbf16, #tpu.memory_space<hbm>>) dst(%dma_wait3A_27 : memref<640x256xbf16, #tpu.memory_space<vmem_shared>>)
        tpu.yield
      }) : () -> ()
    } else {
    }
    %eq3A_3 = arith.constant 1 : i32
    %eq3A_4 = arith.cmpi eq, %arg0, %eq3A_3 : i32
    %convert_element_type3A_5 = arith.extui %eq3A_4 : i1 to i32
    %cond3A_6 = arith.constant 0 : i32
    %cond3A_7 = arith.cmpi ne, %convert_element_type3A_5, %cond3A_6 : i32
    scf.if %cond3A_7 {
      "tpu.region"() ({
        %run_scoped3A = tpu.sem_alloc : memref<!tpu.dma_semaphore, #tpu.memory_space<semaphore_mem>>
        %dma_start3A = arith.constant 0 : i32
        %dma_start3A_24 = tpu.memref_slice %arg11[%mul3A_0, %dma_start3A] : memref<10240x256xbf16, #tpu.memory_space<vmem_shared>> -> memref<640x256xbf16, #tpu.memory_space<vmem_shared>>
        %dma_start3A_25 = arith.constant 0 : i32
        %dma_start3A_26 = tpu.memref_slice %arg3[%mul3A_0, %dma_start3A_25] : memref<10240x256xbf16, #tpu.memory_space<hbm>> -> memref<640x256xbf16, #tpu.memory_space<hbm>>
        tpu.enqueue_dma source(%dma_start3A_26 : memref<640x256xbf16, #tpu.memory_space<hbm>>) target(%dma_start3A_24 : memref<640x256xbf16, #tpu.memory_space<vmem_shared>>) target_semaphore(%run_scoped3A : memref<!tpu.dma_semaphore, #tpu.memory_space<semaphore_mem>>)
        %dma_wait3A = arith.constant 0 : i32
        %dma_wait3A_27 = tpu.memref_slice %arg11[%mul3A_0, %dma_wait3A] : memref<10240x256xbf16, #tpu.memory_space<vmem_shared>> -> memref<640x256xbf16, #tpu.memory_space<vmem_shared>>
        %dma_wait3A_28 = arith.constant 0 : i32
        %dma_wait3A_29 = tpu.memref_slice %arg3[%mul3A_0, %dma_wait3A_28] : memref<10240x256xbf16, #tpu.memory_space<hbm>> -> memref<640x256xbf16, #tpu.memory_space<hbm>>
        tpu.wait_dma2 semaphore(%run_scoped3A : memref<!tpu.dma_semaphore, #tpu.memory_space<semaphore_mem>>) src(%dma_wait3A_29 : memref<640x256xbf16, #tpu.memory_space<hbm>>) dst(%dma_wait3A_27 : memref<640x256xbf16, #tpu.memory_space<vmem_shared>>)
        tpu.yield
      }) : () -> ()
    } else {
    }
    %barrier3A = arith.constant 0 : index
    tpu.barrier barrier_id(%barrier3A)
    %scan3A = arith.constant 0 : i32
    %scan3A_8 = arith.constant 0 : i32
    %scan3A_9 = arith.constant 5 : i32
    %scan3A_10 = arith.addi %scan3A_8, %scan3A_9 : i32
    %scan3A_11 = arith.constant 1 : i32
    scf.for %scan3A_24 = %scan3A_8 to %scan3A_10 step %scan3A_11  : i32 {
      %mul3A_25 = arith.constant 1280 : i32
      %mul3A_26 = arith.muli %arg0, %mul3A_25 : i32
      %mul3A_27 = arith.constant 80 : i32
      %mul3A_28 = arith.muli %arg1, %mul3A_27 : i32
      %add3A = arith.addi %mul3A_26, %mul3A_28 : i32
      %mul3A_29 = arith.constant 16 : i32
      %mul3A_30 = arith.muli %scan3A_24, %mul3A_29 : i32
      %add3A_31 = arith.addi %add3A, %mul3A_30 : i32
      "tpu.region"() ({
        %run_scoped3A_445 = tpu.sem_alloc : memref<!tpu.dma_semaphore, #tpu.memory_space<semaphore_mem>>
        %dma_start3A_446 = arith.constant 0 : i32
        %dma_start3A_447 = tpu.memref_slice %arg4[%add3A_31, %dma_start3A_446] : memref<2560x128xi32, #tpu.memory_space<hbm>> -> memref<16x128xi32, #tpu.memory_space<hbm>>
        %dma_start3A_448 = arith.constant 0 : i32
        %dma_start3A_449 = tpu.memref_slice %arg4[%add3A_31, %dma_start3A_448] : memref<2560x128xi32, #tpu.memory_space<hbm>> -> memref<16x128xi32, #tpu.memory_space<hbm>>
        tpu.enqueue_dma source(%dma_start3A_449 : memref<16x128xi32, #tpu.memory_space<hbm>>) target(%arg8 : memref<16x128xi32, #tpu.memory_space<vmem>>) target_semaphore(%run_scoped3A_445 : memref<!tpu.dma_semaphore, #tpu.memory_space<semaphore_mem>>)
        %dma_wait3A_450 = arith.constant 0 : i32
        %dma_wait3A_451 = tpu.memref_slice %arg4[%add3A_31, %dma_wait3A_450] : memref<2560x128xi32, #tpu.memory_space<hbm>> -> memref<16x128xi32, #tpu.memory_space<hbm>>
        %dma_wait3A_452 = arith.constant 0 : i32
        %dma_wait3A_453 = tpu.memref_slice %arg4[%add3A_31, %dma_wait3A_452] : memref<2560x128xi32, #tpu.memory_space<hbm>> -> memref<16x128xi32, #tpu.memory_space<hbm>>
        tpu.wait_dma2 semaphore(%run_scoped3A_445 : memref<!tpu.dma_semaphore, #tpu.memory_space<semaphore_mem>>) src(%dma_wait3A_453 : memref<16x128xi32, #tpu.memory_space<hbm>>) dst(%arg8 : memref<16x128xi32, #tpu.memory_space<vmem>>)
        tpu.yield
      }) : () -> ()
      "tpu.region"() ({
        %run_scoped3A_445 = tpu.sem_alloc : memref<!tpu.dma_semaphore, #tpu.memory_space<semaphore_mem>>
        %dma_start3A_446 = arith.constant 0 : i32
        %dma_start3A_447 = tpu.memref_slice %arg5[%add3A_31, %dma_start3A_446] : memref<2560x128xi32, #tpu.memory_space<hbm>> -> memref<16x128xi32, #tpu.memory_space<hbm>>
        %dma_start3A_448 = arith.constant 0 : i32
        %dma_start3A_449 = tpu.memref_slice %arg5[%add3A_31, %dma_start3A_448] : memref<2560x128xi32, #tpu.memory_space<hbm>> -> memref<16x128xi32, #tpu.memory_space<hbm>>
        tpu.enqueue_dma source(%dma_start3A_449 : memref<16x128xi32, #tpu.memory_space<hbm>>) target(%arg9 : memref<16x128xi32, #tpu.memory_space<vmem>>) target_semaphore(%run_scoped3A_445 : memref<!tpu.dma_semaphore, #tpu.memory_space<semaphore_mem>>)
        %dma_wait3A_450 = arith.constant 0 : i32
        %dma_wait3A_451 = tpu.memref_slice %arg5[%add3A_31, %dma_wait3A_450] : memref<2560x128xi32, #tpu.memory_space<hbm>> -> memref<16x128xi32, #tpu.memory_space<hbm>>
        %dma_wait3A_452 = arith.constant 0 : i32
        %dma_wait3A_453 = tpu.memref_slice %arg5[%add3A_31, %dma_wait3A_452] : memref<2560x128xi32, #tpu.memory_space<hbm>> -> memref<16x128xi32, #tpu.memory_space<hbm>>
        tpu.wait_dma2 semaphore(%run_scoped3A_445 : memref<!tpu.dma_semaphore, #tpu.memory_space<semaphore_mem>>) src(%dma_wait3A_453 : memref<16x128xi32, #tpu.memory_space<hbm>>) dst(%arg9 : memref<16x128xi32, #tpu.memory_space<vmem>>)
        tpu.yield
      }) : () -> ()
      %dma_start3A = arith.constant 0 : i32
      %dma_start3A_32 = arith.constant 0 : i32
      %dma_start3A_33 = arith.constant 0 : i32
      %dma_start3A_34 = arith.constant 0 : i32
      %dma_start3A_35 = tpu.memref_slice %arg10[%dma_start3A_32, %dma_start3A_33, %dma_start3A_34] : memref<2x128x256xbf16, #tpu.memory_space<vmem>> -> memref<1x128x256xbf16, #tpu.memory_space<vmem>>
      %dma_start3A_36 = tpu.memref_squeeze %dma_start3A_35 : memref<1x128x256xbf16, #tpu.memory_space<vmem>> -> memref<128x256xbf16, #tpu.memory_space<vmem>>
      %dma_start3A_37 = arith.constant 0 : i32
      %dma_start3A_38 = tpu.memref_slice %arg8[%dma_start3A, %dma_start3A_37] : memref<16x128xi32, #tpu.memory_space<vmem>> -> memref<1x128xi32, #tpu.memory_space<vmem>>
      %dma_start3A_39 = tpu.memref_squeeze %dma_start3A_38 : memref<1x128xi32, #tpu.memory_space<vmem>> -> memref<128xi32, #tpu.memory_space<vmem>>
      %dma_start3A_40 = arith.constant 0 : i32
      %dma_start3A_41 = arith.constant 0 : i32
      %dma_start3A_42 = tpu.memref_slice %arg2[%dma_start3A_40, %dma_start3A_41] : memref<10240x256xbf16, #tpu.memory_space<hbm>> -> memref<10240x256xbf16, #tpu.memory_space<hbm>>
      tpu.enqueue_indirect_dma source(%dma_start3A_42 : memref<10240x256xbf16, #tpu.memory_space<hbm>>) target(%dma_start3A_36 : memref<128x256xbf16, #tpu.memory_space<vmem>>) offsets(%dma_start3A_39 : memref<128xi32, #tpu.memory_space<vmem>>) semaphore(%arg12 : memref<!tpu.dma_semaphore, #tpu.memory_space<semaphore_mem>>)
      %dma_start3A_43 = arith.constant 1 : i32
      %dma_start3A_44 = arith.constant 1 : i32
      %dma_start3A_45 = arith.constant 0 : i32
      %dma_start3A_46 = arith.constant 0 : i32
      %dma_start3A_47 = tpu.memref_slice %arg10[%dma_start3A_44, %dma_start3A_45, %dma_start3A_46] : memref<2x128x256xbf16, #tpu.memory_space<vmem>> -> memref<1x128x256xbf16, #tpu.memory_space<vmem>>
      %dma_start3A_48 = tpu.memref_squeeze %dma_start3A_47 : memref<1x128x256xbf16, #tpu.memory_space<vmem>> -> memref<128x256xbf16, #tpu.memory_space<vmem>>
      %dma_start3A_49 = arith.constant 0 : i32
      %dma_start3A_50 = tpu.memref_slice %arg8[%dma_start3A_43, %dma_start3A_49] : memref<16x128xi32, #tpu.memory_space<vmem>> -> memref<1x128xi32, #tpu.memory_space<vmem>>
      %dma_start3A_51 = tpu.memref_squeeze %dma_start3A_50 : memref<1x128xi32, #tpu.memory_space<vmem>> -> memref<128xi32, #tpu.memory_space<vmem>>
      %dma_start3A_52 = arith.constant 0 : i32
      %dma_start3A_53 = arith.constant 0 : i32
      %dma_start3A_54 = tpu.memref_slice %arg2[%dma_start3A_52, %dma_start3A_53] : memref<10240x256xbf16, #tpu.memory_space<hbm>> -> memref<10240x256xbf16, #tpu.memory_space<hbm>>
      tpu.enqueue_indirect_dma source(%dma_start3A_54 : memref<10240x256xbf16, #tpu.memory_space<hbm>>) target(%dma_start3A_48 : memref<128x256xbf16, #tpu.memory_space<vmem>>) offsets(%dma_start3A_51 : memref<128xi32, #tpu.memory_space<vmem>>) semaphore(%arg13 : memref<!tpu.dma_semaphore, #tpu.memory_space<semaphore_mem>>)
      %dma_wait3A = arith.constant 0 : i32
      %dma_wait3A_55 = arith.constant 0 : i32
      %dma_wait3A_56 = arith.constant 0 : i32
      %dma_wait3A_57 = arith.constant 0 : i32
      %dma_wait3A_58 = tpu.memref_slice %arg10[%dma_wait3A_55, %dma_wait3A_56, %dma_wait3A_57] : memref<2x128x256xbf16, #tpu.memory_space<vmem>> -> memref<1x128x256xbf16, #tpu.memory_space<vmem>>
      %dma_wait3A_59 = tpu.memref_squeeze %dma_wait3A_58 : memref<1x128x256xbf16, #tpu.memory_space<vmem>> -> memref<128x256xbf16, #tpu.memory_space<vmem>>
      %dma_wait3A_60 = arith.constant 0 : i32
      %dma_wait3A_61 = tpu.memref_slice %arg8[%dma_wait3A, %dma_wait3A_60] : memref<16x128xi32, #tpu.memory_space<vmem>> -> memref<1x128xi32, #tpu.memory_space<vmem>>
      %dma_wait3A_62 = tpu.memref_squeeze %dma_wait3A_61 : memref<1x128xi32, #tpu.memory_space<vmem>> -> memref<128xi32, #tpu.memory_space<vmem>>
      %dma_wait3A_63 = arith.constant 0 : i32
      %dma_wait3A_64 = arith.constant 0 : i32
      %dma_wait3A_65 = tpu.memref_slice %arg2[%dma_wait3A_63, %dma_wait3A_64] : memref<10240x256xbf16, #tpu.memory_space<hbm>> -> memref<10240x256xbf16, #tpu.memory_space<hbm>>
      tpu.wait_indirect_dma semaphore(%arg12 : memref<!tpu.dma_semaphore, #tpu.memory_space<semaphore_mem>>) src(%dma_wait3A_65 : memref<10240x256xbf16, #tpu.memory_space<hbm>>) dst(%dma_wait3A_59 : memref<128x256xbf16, #tpu.memory_space<vmem>>)
      %run_scoped3A = arith.constant 0 : i32
      %run_scoped3A_66 = arith.constant 0 : i32
      "tpu.region"() ({
        %run_scoped3A_445 = tpu.sem_alloc : memref<!tpu.dma_semaphore, #tpu.memory_space<semaphore_mem>>
        %dma_start3A_446 = arith.constant 0 : i32
        %dma_start3A_447 = arith.constant 0 : i32
        %dma_start3A_448 = tpu.memref_slice %arg10[%run_scoped3A, %dma_start3A_446, %dma_start3A_447] : memref<2x128x256xbf16, #tpu.memory_space<vmem>> -> memref<1x128x256xbf16, #tpu.memory_space<vmem>>
        %dma_start3A_449 = tpu.memref_squeeze %dma_start3A_448 : memref<1x128x256xbf16, #tpu.memory_space<vmem>> -> memref<128x256xbf16, #tpu.memory_space<vmem>>
        %dma_start3A_450 = arith.constant 0 : i32
        %dma_start3A_451 = tpu.memref_slice %arg9[%run_scoped3A_66, %dma_start3A_450] : memref<16x128xi32, #tpu.memory_space<vmem>> -> memref<1x128xi32, #tpu.memory_space<vmem>>
        %dma_start3A_452 = tpu.memref_squeeze %dma_start3A_451 : memref<1x128xi32, #tpu.memory_space<vmem>> -> memref<128xi32, #tpu.memory_space<vmem>>
        %dma_start3A_453 = arith.constant 0 : i32
        %dma_start3A_454 = arith.constant 0 : i32
        %dma_start3A_455 = tpu.memref_slice %arg11[%dma_start3A_453, %dma_start3A_454] : memref<10240x256xbf16, #tpu.memory_space<vmem_shared>> -> memref<10240x256xbf16, #tpu.memory_space<vmem_shared>>
        tpu.enqueue_indirect_dma source(%dma_start3A_449 : memref<128x256xbf16, #tpu.memory_space<vmem>>) target(%dma_start3A_455 : memref<10240x256xbf16, #tpu.memory_space<vmem_shared>>) offsets(%dma_start3A_452 : memref<128xi32, #tpu.memory_space<vmem>>) semaphore(%run_scoped3A_445 : memref<!tpu.dma_semaphore, #tpu.memory_space<semaphore_mem>>) {add = true}
        %dma_wait3A_456 = arith.constant 0 : i32
        %dma_wait3A_457 = arith.constant 0 : i32
        %dma_wait3A_458 = tpu.memref_slice %arg10[%run_scoped3A, %dma_wait3A_456, %dma_wait3A_457] : memref<2x128x256xbf16, #tpu.memory_space<vmem>> -> memref<1x128x256xbf16, #tpu.memory_space<vmem>>
        %dma_wait3A_459 = tpu.memref_squeeze %dma_wait3A_458 : memref<1x128x256xbf16, #tpu.memory_space<vmem>> -> memref<128x256xbf16, #tpu.memory_space<vmem>>
        %dma_wait3A_460 = arith.constant 0 : i32
        %dma_wait3A_461 = tpu.memref_slice %arg9[%run_scoped3A_66, %dma_wait3A_460] : memref<16x128xi32, #tpu.memory_space<vmem>> -> memref<1x128xi32, #tpu.memory_space<vmem>>
        %dma_wait3A_462 = tpu.memref_squeeze %dma_wait3A_461 : memref<1x128xi32, #tpu.memory_space<vmem>> -> memref<128xi32, #tpu.memory_space<vmem>>
        %dma_wait3A_463 = arith.constant 0 : i32
        %dma_wait3A_464 = arith.constant 0 : i32
        %dma_wait3A_465 = tpu.memref_slice %arg11[%dma_wait3A_463, %dma_wait3A_464] : memref<10240x256xbf16, #tpu.memory_space<vmem_shared>> -> memref<10240x256xbf16, #tpu.memory_space<vmem_shared>>
        tpu.wait_indirect_dma semaphore(%run_scoped3A_445 : memref<!tpu.dma_semaphore, #tpu.memory_space<semaphore_mem>>) src(%dma_wait3A_459 : memref<128x256xbf16, #tpu.memory_space<vmem>>) dst(%dma_wait3A_465 : memref<10240x256xbf16, #tpu.memory_space<vmem_shared>>)
        tpu.yield
      }) : () -> ()
      %dma_start3A_67 = arith.constant 2 : i32
      %dma_start3A_68 = arith.constant 0 : i32
      %dma_start3A_69 = arith.constant 0 : i32
      %dma_start3A_70 = arith.constant 0 : i32
      %dma_start3A_71 = tpu.memref_slice %arg10[%dma_start3A_68, %dma_start3A_69, %dma_start3A_70] : memref<2x128x256xbf16, #tpu.memory_space<vmem>> -> memref<1x128x256xbf16, #tpu.memory_space<vmem>>
      %dma_start3A_72 = tpu.memref_squeeze %dma_start3A_71 : memref<1x128x256xbf16, #tpu.memory_space<vmem>> -> memref<128x256xbf16, #tpu.memory_space<vmem>>
      %dma_start3A_73 = arith.constant 0 : i32
      %dma_start3A_74 = tpu.memref_slice %arg8[%dma_start3A_67, %dma_start3A_73] : memref<16x128xi32, #tpu.memory_space<vmem>> -> memref<1x128xi32, #tpu.memory_space<vmem>>
      %dma_start3A_75 = tpu.memref_squeeze %dma_start3A_74 : memref<1x128xi32, #tpu.memory_space<vmem>> -> memref<128xi32, #tpu.memory_space<vmem>>
      %dma_start3A_76 = arith.constant 0 : i32
      %dma_start3A_77 = arith.constant 0 : i32
      %dma_start3A_78 = tpu.memref_slice %arg2[%dma_start3A_76, %dma_start3A_77] : memref<10240x256xbf16, #tpu.memory_space<hbm>> -> memref<10240x256xbf16, #tpu.memory_space<hbm>>
      tpu.enqueue_indirect_dma source(%dma_start3A_78 : memref<10240x256xbf16, #tpu.memory_space<hbm>>) target(%dma_start3A_72 : memref<128x256xbf16, #tpu.memory_space<vmem>>) offsets(%dma_start3A_75 : memref<128xi32, #tpu.memory_space<vmem>>) semaphore(%arg12 : memref<!tpu.dma_semaphore, #tpu.memory_space<semaphore_mem>>)
      %dma_wait3A_79 = arith.constant 1 : i32
      %dma_wait3A_80 = arith.constant 1 : i32
      %dma_wait3A_81 = arith.constant 0 : i32
      %dma_wait3A_82 = arith.constant 0 : i32
      %dma_wait3A_83 = tpu.memref_slice %arg10[%dma_wait3A_80, %dma_wait3A_81, %dma_wait3A_82] : memref<2x128x256xbf16, #tpu.memory_space<vmem>> -> memref<1x128x256xbf16, #tpu.memory_space<vmem>>
      %dma_wait3A_84 = tpu.memref_squeeze %dma_wait3A_83 : memref<1x128x256xbf16, #tpu.memory_space<vmem>> -> memref<128x256xbf16, #tpu.memory_space<vmem>>
      %dma_wait3A_85 = arith.constant 0 : i32
      %dma_wait3A_86 = tpu.memref_slice %arg8[%dma_wait3A_79, %dma_wait3A_85] : memref<16x128xi32, #tpu.memory_space<vmem>> -> memref<1x128xi32, #tpu.memory_space<vmem>>
      %dma_wait3A_87 = tpu.memref_squeeze %dma_wait3A_86 : memref<1x128xi32, #tpu.memory_space<vmem>> -> memref<128xi32, #tpu.memory_space<vmem>>
      %dma_wait3A_88 = arith.constant 0 : i32
      %dma_wait3A_89 = arith.constant 0 : i32
      %dma_wait3A_90 = tpu.memref_slice %arg2[%dma_wait3A_88, %dma_wait3A_89] : memref<10240x256xbf16, #tpu.memory_space<hbm>> -> memref<10240x256xbf16, #tpu.memory_space<hbm>>
      tpu.wait_indirect_dma semaphore(%arg13 : memref<!tpu.dma_semaphore, #tpu.memory_space<semaphore_mem>>) src(%dma_wait3A_90 : memref<10240x256xbf16, #tpu.memory_space<hbm>>) dst(%dma_wait3A_84 : memref<128x256xbf16, #tpu.memory_space<vmem>>)
      %run_scoped3A_91 = arith.constant 1 : i32
      %run_scoped3A_92 = arith.constant 1 : i32
      "tpu.region"() ({
        %run_scoped3A_445 = tpu.sem_alloc : memref<!tpu.dma_semaphore, #tpu.memory_space<semaphore_mem>>
        %dma_start3A_446 = arith.constant 0 : i32
        %dma_start3A_447 = arith.constant 0 : i32
        %dma_start3A_448 = tpu.memref_slice %arg10[%run_scoped3A_91, %dma_start3A_446, %dma_start3A_447] : memref<2x128x256xbf16, #tpu.memory_space<vmem>> -> memref<1x128x256xbf16, #tpu.memory_space<vmem>>
        %dma_start3A_449 = tpu.memref_squeeze %dma_start3A_448 : memref<1x128x256xbf16, #tpu.memory_space<vmem>> -> memref<128x256xbf16, #tpu.memory_space<vmem>>
        %dma_start3A_450 = arith.constant 0 : i32
        %dma_start3A_451 = tpu.memref_slice %arg9[%run_scoped3A_92, %dma_start3A_450] : memref<16x128xi32, #tpu.memory_space<vmem>> -> memref<1x128xi32, #tpu.memory_space<vmem>>
        %dma_start3A_452 = tpu.memref_squeeze %dma_start3A_451 : memref<1x128xi32, #tpu.memory_space<vmem>> -> memref<128xi32, #tpu.memory_space<vmem>>
        %dma_start3A_453 = arith.constant 0 : i32
        %dma_start3A_454 = arith.constant 0 : i32
        %dma_start3A_455 = tpu.memref_slice %arg11[%dma_start3A_453, %dma_start3A_454] : memref<10240x256xbf16, #tpu.memory_space<vmem_shared>> -> memref<10240x256xbf16, #tpu.memory_space<vmem_shared>>
        tpu.enqueue_indirect_dma source(%dma_start3A_449 : memref<128x256xbf16, #tpu.memory_space<vmem>>) target(%dma_start3A_455 : memref<10240x256xbf16, #tpu.memory_space<vmem_shared>>) offsets(%dma_start3A_452 : memref<128xi32, #tpu.memory_space<vmem>>) semaphore(%run_scoped3A_445 : memref<!tpu.dma_semaphore, #tpu.memory_space<semaphore_mem>>) {add = true}
        %dma_wait3A_456 = arith.constant 0 : i32
        %dma_wait3A_457 = arith.constant 0 : i32
        %dma_wait3A_458 = tpu.memref_slice %arg10[%run_scoped3A_91, %dma_wait3A_456, %dma_wait3A_457] : memref<2x128x256xbf16, #tpu.memory_space<vmem>> -> memref<1x128x256xbf16, #tpu.memory_space<vmem>>
        %dma_wait3A_459 = tpu.memref_squeeze %dma_wait3A_458 : memref<1x128x256xbf16, #tpu.memory_space<vmem>> -> memref<128x256xbf16, #tpu.memory_space<vmem>>
        %dma_wait3A_460 = arith.constant 0 : i32
        %dma_wait3A_461 = tpu.memref_slice %arg9[%run_scoped3A_92, %dma_wait3A_460] : memref<16x128xi32, #tpu.memory_space<vmem>> -> memref<1x128xi32, #tpu.memory_space<vmem>>
        %dma_wait3A_462 = tpu.memref_squeeze %dma_wait3A_461 : memref<1x128xi32, #tpu.memory_space<vmem>> -> memref<128xi32, #tpu.memory_space<vmem>>
        %dma_wait3A_463 = arith.constant 0 : i32
        %dma_wait3A_464 = arith.constant 0 : i32
        %dma_wait3A_465 = tpu.memref_slice %arg11[%dma_wait3A_463, %dma_wait3A_464] : memref<10240x256xbf16, #tpu.memory_space<vmem_shared>> -> memref<10240x256xbf16, #tpu.memory_space<vmem_shared>>
        tpu.wait_indirect_dma semaphore(%run_scoped3A_445 : memref<!tpu.dma_semaphore, #tpu.memory_space<semaphore_mem>>) src(%dma_wait3A_459 : memref<128x256xbf16, #tpu.memory_space<vmem>>) dst(%dma_wait3A_465 : memref<10240x256xbf16, #tpu.memory_space<vmem_shared>>)
        tpu.yield
      }) : () -> ()
      %dma_start3A_93 = arith.constant 3 : i32
      %dma_start3A_94 = arith.constant 1 : i32
      %dma_start3A_95 = arith.constant 0 : i32
      %dma_start3A_96 = arith.constant 0 : i32
      %dma_start3A_97 = tpu.memref_slice %arg10[%dma_start3A_94, %dma_start3A_95, %dma_start3A_96] : memref<2x128x256xbf16, #tpu.memory_space<vmem>> -> memref<1x128x256xbf16, #tpu.memory_space<vmem>>
      %dma_start3A_98 = tpu.memref_squeeze %dma_start3A_97 : memref<1x128x256xbf16, #tpu.memory_space<vmem>> -> memref<128x256xbf16, #tpu.memory_space<vmem>>
      %dma_start3A_99 = arith.constant 0 : i32
      %dma_start3A_100 = tpu.memref_slice %arg8[%dma_start3A_93, %dma_start3A_99] : memref<16x128xi32, #tpu.memory_space<vmem>> -> memref<1x128xi32, #tpu.memory_space<vmem>>
      %dma_start3A_101 = tpu.memref_squeeze %dma_start3A_100 : memref<1x128xi32, #tpu.memory_space<vmem>> -> memref<128xi32, #tpu.memory_space<vmem>>
      %dma_start3A_102 = arith.constant 0 : i32
      %dma_start3A_103 = arith.constant 0 : i32
      %dma_start3A_104 = tpu.memref_slice %arg2[%dma_start3A_102, %dma_start3A_103] : memref<10240x256xbf16, #tpu.memory_space<hbm>> -> memref<10240x256xbf16, #tpu.memory_space<hbm>>
      tpu.enqueue_indirect_dma source(%dma_start3A_104 : memref<10240x256xbf16, #tpu.memory_space<hbm>>) target(%dma_start3A_98 : memref<128x256xbf16, #tpu.memory_space<vmem>>) offsets(%dma_start3A_101 : memref<128xi32, #tpu.memory_space<vmem>>) semaphore(%arg13 : memref<!tpu.dma_semaphore, #tpu.memory_space<semaphore_mem>>)
      %dma_wait3A_105 = arith.constant 2 : i32
      %dma_wait3A_106 = arith.constant 0 : i32
      %dma_wait3A_107 = arith.constant 0 : i32
      %dma_wait3A_108 = arith.constant 0 : i32
      %dma_wait3A_109 = tpu.memref_slice %arg10[%dma_wait3A_106, %dma_wait3A_107, %dma_wait3A_108] : memref<2x128x256xbf16, #tpu.memory_space<vmem>> -> memref<1x128x256xbf16, #tpu.memory_space<vmem>>
      %dma_wait3A_110 = tpu.memref_squeeze %dma_wait3A_109 : memref<1x128x256xbf16, #tpu.memory_space<vmem>> -> memref<128x256xbf16, #tpu.memory_space<vmem>>
      %dma_wait3A_111 = arith.constant 0 : i32
      %dma_wait3A_112 = tpu.memref_slice %arg8[%dma_wait3A_105, %dma_wait3A_111] : memref<16x128xi32, #tpu.memory_space<vmem>> -> memref<1x128xi32, #tpu.memory_space<vmem>>
      %dma_wait3A_113 = tpu.memref_squeeze %dma_wait3A_112 : memref<1x128xi32, #tpu.memory_space<vmem>> -> memref<128xi32, #tpu.memory_space<vmem>>
      %dma_wait3A_114 = arith.constant 0 : i32
      %dma_wait3A_115 = arith.constant 0 : i32
      %dma_wait3A_116 = tpu.memref_slice %arg2[%dma_wait3A_114, %dma_wait3A_115] : memref<10240x256xbf16, #tpu.memory_space<hbm>> -> memref<10240x256xbf16, #tpu.memory_space<hbm>>
      tpu.wait_indirect_dma semaphore(%arg12 : memref<!tpu.dma_semaphore, #tpu.memory_space<semaphore_mem>>) src(%dma_wait3A_116 : memref<10240x256xbf16, #tpu.memory_space<hbm>>) dst(%dma_wait3A_110 : memref<128x256xbf16, #tpu.memory_space<vmem>>)
      %run_scoped3A_117 = arith.constant 0 : i32
      %run_scoped3A_118 = arith.constant 2 : i32
      "tpu.region"() ({
        %run_scoped3A_445 = tpu.sem_alloc : memref<!tpu.dma_semaphore, #tpu.memory_space<semaphore_mem>>
        %dma_start3A_446 = arith.constant 0 : i32
        %dma_start3A_447 = arith.constant 0 : i32
        %dma_start3A_448 = tpu.memref_slice %arg10[%run_scoped3A_117, %dma_start3A_446, %dma_start3A_447] : memref<2x128x256xbf16, #tpu.memory_space<vmem>> -> memref<1x128x256xbf16, #tpu.memory_space<vmem>>
        %dma_start3A_449 = tpu.memref_squeeze %dma_start3A_448 : memref<1x128x256xbf16, #tpu.memory_space<vmem>> -> memref<128x256xbf16, #tpu.memory_space<vmem>>
        %dma_start3A_450 = arith.constant 0 : i32
        %dma_start3A_451 = tpu.memref_slice %arg9[%run_scoped3A_118, %dma_start3A_450] : memref<16x128xi32, #tpu.memory_space<vmem>> -> memref<1x128xi32, #tpu.memory_space<vmem>>
        %dma_start3A_452 = tpu.memref_squeeze %dma_start3A_451 : memref<1x128xi32, #tpu.memory_space<vmem>> -> memref<128xi32, #tpu.memory_space<vmem>>
        %dma_start3A_453 = arith.constant 0 : i32
        %dma_start3A_454 = arith.constant 0 : i32
        %dma_start3A_455 = tpu.memref_slice %arg11[%dma_start3A_453, %dma_start3A_454] : memref<10240x256xbf16, #tpu.memory_space<vmem_shared>> -> memref<10240x256xbf16, #tpu.memory_space<vmem_shared>>
        tpu.enqueue_indirect_dma source(%dma_start3A_449 : memref<128x256xbf16, #tpu.memory_space<vmem>>) target(%dma_start3A_455 : memref<10240x256xbf16, #tpu.memory_space<vmem_shared>>) offsets(%dma_start3A_452 : memref<128xi32, #tpu.memory_space<vmem>>) semaphore(%run_scoped3A_445 : memref<!tpu.dma_semaphore, #tpu.memory_space<semaphore_mem>>) {add = true}
        %dma_wait3A_456 = arith.constant 0 : i32
        %dma_wait3A_457 = arith.constant 0 : i32
        %dma_wait3A_458 = tpu.memref_slice %arg10[%run_scoped3A_117, %dma_wait3A_456, %dma_wait3A_457] : memref<2x128x256xbf16, #tpu.memory_space<vmem>> -> memref<1x128x256xbf16, #tpu.memory_space<vmem>>
        %dma_wait3A_459 = tpu.memref_squeeze %dma_wait3A_458 : memref<1x128x256xbf16, #tpu.memory_space<vmem>> -> memref<128x256xbf16, #tpu.memory_space<vmem>>
        %dma_wait3A_460 = arith.constant 0 : i32
        %dma_wait3A_461 = tpu.memref_slice %arg9[%run_scoped3A_118, %dma_wait3A_460] : memref<16x128xi32, #tpu.memory_space<vmem>> -> memref<1x128xi32, #tpu.memory_space<vmem>>
        %dma_wait3A_462 = tpu.memref_squeeze %dma_wait3A_461 : memref<1x128xi32, #tpu.memory_space<vmem>> -> memref<128xi32, #tpu.memory_space<vmem>>
        %dma_wait3A_463 = arith.constant 0 : i32
        %dma_wait3A_464 = arith.constant 0 : i32
        %dma_wait3A_465 = tpu.memref_slice %arg11[%dma_wait3A_463, %dma_wait3A_464] : memref<10240x256xbf16, #tpu.memory_space<vmem_shared>> -> memref<10240x256xbf16, #tpu.memory_space<vmem_shared>>
        tpu.wait_indirect_dma semaphore(%run_scoped3A_445 : memref<!tpu.dma_semaphore, #tpu.memory_space<semaphore_mem>>) src(%dma_wait3A_459 : memref<128x256xbf16, #tpu.memory_space<vmem>>) dst(%dma_wait3A_465 : memref<10240x256xbf16, #tpu.memory_space<vmem_shared>>)
        tpu.yield
      }) : () -> ()
      %dma_start3A_119 = arith.constant 4 : i32
      %dma_start3A_120 = arith.constant 0 : i32
      %dma_start3A_121 = arith.constant 0 : i32
      %dma_start3A_122 = arith.constant 0 : i32
      %dma_start3A_123 = tpu.memref_slice %arg10[%dma_start3A_120, %dma_start3A_121, %dma_start3A_122] : memref<2x128x256xbf16, #tpu.memory_space<vmem>> -> memref<1x128x256xbf16, #tpu.memory_space<vmem>>
      %dma_start3A_124 = tpu.memref_squeeze %dma_start3A_123 : memref<1x128x256xbf16, #tpu.memory_space<vmem>> -> memref<128x256xbf16, #tpu.memory_space<vmem>>
      %dma_start3A_125 = arith.constant 0 : i32
      %dma_start3A_126 = tpu.memref_slice %arg8[%dma_start3A_119, %dma_start3A_125] : memref<16x128xi32, #tpu.memory_space<vmem>> -> memref<1x128xi32, #tpu.memory_space<vmem>>
      %dma_start3A_127 = tpu.memref_squeeze %dma_start3A_126 : memref<1x128xi32, #tpu.memory_space<vmem>> -> memref<128xi32, #tpu.memory_space<vmem>>
      %dma_start3A_128 = arith.constant 0 : i32
      %dma_start3A_129 = arith.constant 0 : i32
      %dma_start3A_130 = tpu.memref_slice %arg2[%dma_start3A_128, %dma_start3A_129] : memref<10240x256xbf16, #tpu.memory_space<hbm>> -> memref<10240x256xbf16, #tpu.memory_space<hbm>>
      tpu.enqueue_indirect_dma source(%dma_start3A_130 : memref<10240x256xbf16, #tpu.memory_space<hbm>>) target(%dma_start3A_124 : memref<128x256xbf16, #tpu.memory_space<vmem>>) offsets(%dma_start3A_127 : memref<128xi32, #tpu.memory_space<vmem>>) semaphore(%arg12 : memref<!tpu.dma_semaphore, #tpu.memory_space<semaphore_mem>>)
      %dma_wait3A_131 = arith.constant 3 : i32
      %dma_wait3A_132 = arith.constant 1 : i32
      %dma_wait3A_133 = arith.constant 0 : i32
      %dma_wait3A_134 = arith.constant 0 : i32
      %dma_wait3A_135 = tpu.memref_slice %arg10[%dma_wait3A_132, %dma_wait3A_133, %dma_wait3A_134] : memref<2x128x256xbf16, #tpu.memory_space<vmem>> -> memref<1x128x256xbf16, #tpu.memory_space<vmem>>
      %dma_wait3A_136 = tpu.memref_squeeze %dma_wait3A_135 : memref<1x128x256xbf16, #tpu.memory_space<vmem>> -> memref<128x256xbf16, #tpu.memory_space<vmem>>
      %dma_wait3A_137 = arith.constant 0 : i32
      %dma_wait3A_138 = tpu.memref_slice %arg8[%dma_wait3A_131, %dma_wait3A_137] : memref<16x128xi32, #tpu.memory_space<vmem>> -> memref<1x128xi32, #tpu.memory_space<vmem>>
      %dma_wait3A_139 = tpu.memref_squeeze %dma_wait3A_138 : memref<1x128xi32, #tpu.memory_space<vmem>> -> memref<128xi32, #tpu.memory_space<vmem>>
      %dma_wait3A_140 = arith.constant 0 : i32
      %dma_wait3A_141 = arith.constant 0 : i32
      %dma_wait3A_142 = tpu.memref_slice %arg2[%dma_wait3A_140, %dma_wait3A_141] : memref<10240x256xbf16, #tpu.memory_space<hbm>> -> memref<10240x256xbf16, #tpu.memory_space<hbm>>
      tpu.wait_indirect_dma semaphore(%arg13 : memref<!tpu.dma_semaphore, #tpu.memory_space<semaphore_mem>>) src(%dma_wait3A_142 : memref<10240x256xbf16, #tpu.memory_space<hbm>>) dst(%dma_wait3A_136 : memref<128x256xbf16, #tpu.memory_space<vmem>>)
      %run_scoped3A_143 = arith.constant 1 : i32
      %run_scoped3A_144 = arith.constant 3 : i32
      "tpu.region"() ({
        %run_scoped3A_445 = tpu.sem_alloc : memref<!tpu.dma_semaphore, #tpu.memory_space<semaphore_mem>>
        %dma_start3A_446 = arith.constant 0 : i32
        %dma_start3A_447 = arith.constant 0 : i32
        %dma_start3A_448 = tpu.memref_slice %arg10[%run_scoped3A_143, %dma_start3A_446, %dma_start3A_447] : memref<2x128x256xbf16, #tpu.memory_space<vmem>> -> memref<1x128x256xbf16, #tpu.memory_space<vmem>>
        %dma_start3A_449 = tpu.memref_squeeze %dma_start3A_448 : memref<1x128x256xbf16, #tpu.memory_space<vmem>> -> memref<128x256xbf16, #tpu.memory_space<vmem>>
        %dma_start3A_450 = arith.constant 0 : i32
        %dma_start3A_451 = tpu.memref_slice %arg9[%run_scoped3A_144, %dma_start3A_450] : memref<16x128xi32, #tpu.memory_space<vmem>> -> memref<1x128xi32, #tpu.memory_space<vmem>>
        %dma_start3A_452 = tpu.memref_squeeze %dma_start3A_451 : memref<1x128xi32, #tpu.memory_space<vmem>> -> memref<128xi32, #tpu.memory_space<vmem>>
        %dma_start3A_453 = arith.constant 0 : i32
        %dma_start3A_454 = arith.constant 0 : i32
        %dma_start3A_455 = tpu.memref_slice %arg11[%dma_start3A_453, %dma_start3A_454] : memref<10240x256xbf16, #tpu.memory_space<vmem_shared>> -> memref<10240x256xbf16, #tpu.memory_space<vmem_shared>>
        tpu.enqueue_indirect_dma source(%dma_start3A_449 : memref<128x256xbf16, #tpu.memory_space<vmem>>) target(%dma_start3A_455 : memref<10240x256xbf16, #tpu.memory_space<vmem_shared>>) offsets(%dma_start3A_452 : memref<128xi32, #tpu.memory_space<vmem>>) semaphore(%run_scoped3A_445 : memref<!tpu.dma_semaphore, #tpu.memory_space<semaphore_mem>>) {add = true}
        %dma_wait3A_456 = arith.constant 0 : i32
        %dma_wait3A_457 = arith.constant 0 : i32
        %dma_wait3A_458 = tpu.memref_slice %arg10[%run_scoped3A_143, %dma_wait3A_456, %dma_wait3A_457] : memref<2x128x256xbf16, #tpu.memory_space<vmem>> -> memref<1x128x256xbf16, #tpu.memory_space<vmem>>
        %dma_wait3A_459 = tpu.memref_squeeze %dma_wait3A_458 : memref<1x128x256xbf16, #tpu.memory_space<vmem>> -> memref<128x256xbf16, #tpu.memory_space<vmem>>
        %dma_wait3A_460 = arith.constant 0 : i32
        %dma_wait3A_461 = tpu.memref_slice %arg9[%run_scoped3A_144, %dma_wait3A_460] : memref<16x128xi32, #tpu.memory_space<vmem>> -> memref<1x128xi32, #tpu.memory_space<vmem>>
        %dma_wait3A_462 = tpu.memref_squeeze %dma_wait3A_461 : memref<1x128xi32, #tpu.memory_space<vmem>> -> memref<128xi32, #tpu.memory_space<vmem>>
        %dma_wait3A_463 = arith.constant 0 : i32
        %dma_wait3A_464 = arith.constant 0 : i32
        %dma_wait3A_465 = tpu.memref_slice %arg11[%dma_wait3A_463, %dma_wait3A_464] : memref<10240x256xbf16, #tpu.memory_space<vmem_shared>> -> memref<10240x256xbf16, #tpu.memory_space<vmem_shared>>
        tpu.wait_indirect_dma semaphore(%run_scoped3A_445 : memref<!tpu.dma_semaphore, #tpu.memory_space<semaphore_mem>>) src(%dma_wait3A_459 : memref<128x256xbf16, #tpu.memory_space<vmem>>) dst(%dma_wait3A_465 : memref<10240x256xbf16, #tpu.memory_space<vmem_shared>>)
        tpu.yield
      }) : () -> ()
      %dma_start3A_145 = arith.constant 5 : i32
      %dma_start3A_146 = arith.constant 1 : i32
      %dma_start3A_147 = arith.constant 0 : i32
      %dma_start3A_148 = arith.constant 0 : i32
      %dma_start3A_149 = tpu.memref_slice %arg10[%dma_start3A_146, %dma_start3A_147, %dma_start3A_148] : memref<2x128x256xbf16, #tpu.memory_space<vmem>> -> memref<1x128x256xbf16, #tpu.memory_space<vmem>>
      %dma_start3A_150 = tpu.memref_squeeze %dma_start3A_149 : memref<1x128x256xbf16, #tpu.memory_space<vmem>> -> memref<128x256xbf16, #tpu.memory_space<vmem>>
      %dma_start3A_151 = arith.constant 0 : i32
      %dma_start3A_152 = tpu.memref_slice %arg8[%dma_start3A_145, %dma_start3A_151] : memref<16x128xi32, #tpu.memory_space<vmem>> -> memref<1x128xi32, #tpu.memory_space<vmem>>
      %dma_start3A_153 = tpu.memref_squeeze %dma_start3A_152 : memref<1x128xi32, #tpu.memory_space<vmem>> -> memref<128xi32, #tpu.memory_space<vmem>>
      %dma_start3A_154 = arith.constant 0 : i32
      %dma_start3A_155 = arith.constant 0 : i32
      %dma_start3A_156 = tpu.memref_slice %arg2[%dma_start3A_154, %dma_start3A_155] : memref<10240x256xbf16, #tpu.memory_space<hbm>> -> memref<10240x256xbf16, #tpu.memory_space<hbm>>
      tpu.enqueue_indirect_dma source(%dma_start3A_156 : memref<10240x256xbf16, #tpu.memory_space<hbm>>) target(%dma_start3A_150 : memref<128x256xbf16, #tpu.memory_space<vmem>>) offsets(%dma_start3A_153 : memref<128xi32, #tpu.memory_space<vmem>>) semaphore(%arg13 : memref<!tpu.dma_semaphore, #tpu.memory_space<semaphore_mem>>)
      %dma_wait3A_157 = arith.constant 4 : i32
      %dma_wait3A_158 = arith.constant 0 : i32
      %dma_wait3A_159 = arith.constant 0 : i32
      %dma_wait3A_160 = arith.constant 0 : i32
      %dma_wait3A_161 = tpu.memref_slice %arg10[%dma_wait3A_158, %dma_wait3A_159, %dma_wait3A_160] : memref<2x128x256xbf16, #tpu.memory_space<vmem>> -> memref<1x128x256xbf16, #tpu.memory_space<vmem>>
      %dma_wait3A_162 = tpu.memref_squeeze %dma_wait3A_161 : memref<1x128x256xbf16, #tpu.memory_space<vmem>> -> memref<128x256xbf16, #tpu.memory_space<vmem>>
      %dma_wait3A_163 = arith.constant 0 : i32
      %dma_wait3A_164 = tpu.memref_slice %arg8[%dma_wait3A_157, %dma_wait3A_163] : memref<16x128xi32, #tpu.memory_space<vmem>> -> memref<1x128xi32, #tpu.memory_space<vmem>>
      %dma_wait3A_165 = tpu.memref_squeeze %dma_wait3A_164 : memref<1x128xi32, #tpu.memory_space<vmem>> -> memref<128xi32, #tpu.memory_space<vmem>>
      %dma_wait3A_166 = arith.constant 0 : i32
      %dma_wait3A_167 = arith.constant 0 : i32
      %dma_wait3A_168 = tpu.memref_slice %arg2[%dma_wait3A_166, %dma_wait3A_167] : memref<10240x256xbf16, #tpu.memory_space<hbm>> -> memref<10240x256xbf16, #tpu.memory_space<hbm>>
      tpu.wait_indirect_dma semaphore(%arg12 : memref<!tpu.dma_semaphore, #tpu.memory_space<semaphore_mem>>) src(%dma_wait3A_168 : memref<10240x256xbf16, #tpu.memory_space<hbm>>) dst(%dma_wait3A_162 : memref<128x256xbf16, #tpu.memory_space<vmem>>)
      %run_scoped3A_169 = arith.constant 0 : i32
      %run_scoped3A_170 = arith.constant 4 : i32
      "tpu.region"() ({
        %run_scoped3A_445 = tpu.sem_alloc : memref<!tpu.dma_semaphore, #tpu.memory_space<semaphore_mem>>
        %dma_start3A_446 = arith.constant 0 : i32
        %dma_start3A_447 = arith.constant 0 : i32
        %dma_start3A_448 = tpu.memref_slice %arg10[%run_scoped3A_169, %dma_start3A_446, %dma_start3A_447] : memref<2x128x256xbf16, #tpu.memory_space<vmem>> -> memref<1x128x256xbf16, #tpu.memory_space<vmem>>
        %dma_start3A_449 = tpu.memref_squeeze %dma_start3A_448 : memref<1x128x256xbf16, #tpu.memory_space<vmem>> -> memref<128x256xbf16, #tpu.memory_space<vmem>>
        %dma_start3A_450 = arith.constant 0 : i32
        %dma_start3A_451 = tpu.memref_slice %arg9[%run_scoped3A_170, %dma_start3A_450] : memref<16x128xi32, #tpu.memory_space<vmem>> -> memref<1x128xi32, #tpu.memory_space<vmem>>
        %dma_start3A_452 = tpu.memref_squeeze %dma_start3A_451 : memref<1x128xi32, #tpu.memory_space<vmem>> -> memref<128xi32, #tpu.memory_space<vmem>>
        %dma_start3A_453 = arith.constant 0 : i32
        %dma_start3A_454 = arith.constant 0 : i32
        %dma_start3A_455 = tpu.memref_slice %arg11[%dma_start3A_453, %dma_start3A_454] : memref<10240x256xbf16, #tpu.memory_space<vmem_shared>> -> memref<10240x256xbf16, #tpu.memory_space<vmem_shared>>
        tpu.enqueue_indirect_dma source(%dma_start3A_449 : memref<128x256xbf16, #tpu.memory_space<vmem>>) target(%dma_start3A_455 : memref<10240x256xbf16, #tpu.memory_space<vmem_shared>>) offsets(%dma_start3A_452 : memref<128xi32, #tpu.memory_space<vmem>>) semaphore(%run_scoped3A_445 : memref<!tpu.dma_semaphore, #tpu.memory_space<semaphore_mem>>) {add = true}
        %dma_wait3A_456 = arith.constant 0 : i32
        %dma_wait3A_457 = arith.constant 0 : i32
        %dma_wait3A_458 = tpu.memref_slice %arg10[%run_scoped3A_169, %dma_wait3A_456, %dma_wait3A_457] : memref<2x128x256xbf16, #tpu.memory_space<vmem>> -> memref<1x128x256xbf16, #tpu.memory_space<vmem>>
        %dma_wait3A_459 = tpu.memref_squeeze %dma_wait3A_458 : memref<1x128x256xbf16, #tpu.memory_space<vmem>> -> memref<128x256xbf16, #tpu.memory_space<vmem>>
        %dma_wait3A_460 = arith.constant 0 : i32
        %dma_wait3A_461 = tpu.memref_slice %arg9[%run_scoped3A_170, %dma_wait3A_460] : memref<16x128xi32, #tpu.memory_space<vmem>> -> memref<1x128xi32, #tpu.memory_space<vmem>>
        %dma_wait3A_462 = tpu.memref_squeeze %dma_wait3A_461 : memref<1x128xi32, #tpu.memory_space<vmem>> -> memref<128xi32, #tpu.memory_space<vmem>>
        %dma_wait3A_463 = arith.constant 0 : i32
        %dma_wait3A_464 = arith.constant 0 : i32
        %dma_wait3A_465 = tpu.memref_slice %arg11[%dma_wait3A_463, %dma_wait3A_464] : memref<10240x256xbf16, #tpu.memory_space<vmem_shared>> -> memref<10240x256xbf16, #tpu.memory_space<vmem_shared>>
        tpu.wait_indirect_dma semaphore(%run_scoped3A_445 : memref<!tpu.dma_semaphore, #tpu.memory_space<semaphore_mem>>) src(%dma_wait3A_459 : memref<128x256xbf16, #tpu.memory_space<vmem>>) dst(%dma_wait3A_465 : memref<10240x256xbf16, #tpu.memory_space<vmem_shared>>)
        tpu.yield
      }) : () -> ()
      %dma_start3A_171 = arith.constant 6 : i32
      %dma_start3A_172 = arith.constant 0 : i32
      %dma_start3A_173 = arith.constant 0 : i32
      %dma_start3A_174 = arith.constant 0 : i32
      %dma_start3A_175 = tpu.memref_slice %arg10[%dma_start3A_172, %dma_start3A_173, %dma_start3A_174] : memref<2x128x256xbf16, #tpu.memory_space<vmem>> -> memref<1x128x256xbf16, #tpu.memory_space<vmem>>
      %dma_start3A_176 = tpu.memref_squeeze %dma_start3A_175 : memref<1x128x256xbf16, #tpu.memory_space<vmem>> -> memref<128x256xbf16, #tpu.memory_space<vmem>>
      %dma_start3A_177 = arith.constant 0 : i32
      %dma_start3A_178 = tpu.memref_slice %arg8[%dma_start3A_171, %dma_start3A_177] : memref<16x128xi32, #tpu.memory_space<vmem>> -> memref<1x128xi32, #tpu.memory_space<vmem>>
      %dma_start3A_179 = tpu.memref_squeeze %dma_start3A_178 : memref<1x128xi32, #tpu.memory_space<vmem>> -> memref<128xi32, #tpu.memory_space<vmem>>
      %dma_start3A_180 = arith.constant 0 : i32
      %dma_start3A_181 = arith.constant 0 : i32
      %dma_start3A_182 = tpu.memref_slice %arg2[%dma_start3A_180, %dma_start3A_181] : memref<10240x256xbf16, #tpu.memory_space<hbm>> -> memref<10240x256xbf16, #tpu.memory_space<hbm>>
      tpu.enqueue_indirect_dma source(%dma_start3A_182 : memref<10240x256xbf16, #tpu.memory_space<hbm>>) target(%dma_start3A_176 : memref<128x256xbf16, #tpu.memory_space<vmem>>) offsets(%dma_start3A_179 : memref<128xi32, #tpu.memory_space<vmem>>) semaphore(%arg12 : memref<!tpu.dma_semaphore, #tpu.memory_space<semaphore_mem>>)
      %dma_wait3A_183 = arith.constant 5 : i32
      %dma_wait3A_184 = arith.constant 1 : i32
      %dma_wait3A_185 = arith.constant 0 : i32
      %dma_wait3A_186 = arith.constant 0 : i32
      %dma_wait3A_187 = tpu.memref_slice %arg10[%dma_wait3A_184, %dma_wait3A_185, %dma_wait3A_186] : memref<2x128x256xbf16, #tpu.memory_space<vmem>> -> memref<1x128x256xbf16, #tpu.memory_space<vmem>>
      %dma_wait3A_188 = tpu.memref_squeeze %dma_wait3A_187 : memref<1x128x256xbf16, #tpu.memory_space<vmem>> -> memref<128x256xbf16, #tpu.memory_space<vmem>>
      %dma_wait3A_189 = arith.constant 0 : i32
      %dma_wait3A_190 = tpu.memref_slice %arg8[%dma_wait3A_183, %dma_wait3A_189] : memref<16x128xi32, #tpu.memory_space<vmem>> -> memref<1x128xi32, #tpu.memory_space<vmem>>
      %dma_wait3A_191 = tpu.memref_squeeze %dma_wait3A_190 : memref<1x128xi32, #tpu.memory_space<vmem>> -> memref<128xi32, #tpu.memory_space<vmem>>
      %dma_wait3A_192 = arith.constant 0 : i32
      %dma_wait3A_193 = arith.constant 0 : i32
      %dma_wait3A_194 = tpu.memref_slice %arg2[%dma_wait3A_192, %dma_wait3A_193] : memref<10240x256xbf16, #tpu.memory_space<hbm>> -> memref<10240x256xbf16, #tpu.memory_space<hbm>>
      tpu.wait_indirect_dma semaphore(%arg13 : memref<!tpu.dma_semaphore, #tpu.memory_space<semaphore_mem>>) src(%dma_wait3A_194 : memref<10240x256xbf16, #tpu.memory_space<hbm>>) dst(%dma_wait3A_188 : memref<128x256xbf16, #tpu.memory_space<vmem>>)
      %run_scoped3A_195 = arith.constant 1 : i32
      %run_scoped3A_196 = arith.constant 5 : i32
      "tpu.region"() ({
        %run_scoped3A_445 = tpu.sem_alloc : memref<!tpu.dma_semaphore, #tpu.memory_space<semaphore_mem>>
        %dma_start3A_446 = arith.constant 0 : i32
        %dma_start3A_447 = arith.constant 0 : i32
        %dma_start3A_448 = tpu.memref_slice %arg10[%run_scoped3A_195, %dma_start3A_446, %dma_start3A_447] : memref<2x128x256xbf16, #tpu.memory_space<vmem>> -> memref<1x128x256xbf16, #tpu.memory_space<vmem>>
        %dma_start3A_449 = tpu.memref_squeeze %dma_start3A_448 : memref<1x128x256xbf16, #tpu.memory_space<vmem>> -> memref<128x256xbf16, #tpu.memory_space<vmem>>
        %dma_start3A_450 = arith.constant 0 : i32
        %dma_start3A_451 = tpu.memref_slice %arg9[%run_scoped3A_196, %dma_start3A_450] : memref<16x128xi32, #tpu.memory_space<vmem>> -> memref<1x128xi32, #tpu.memory_space<vmem>>
        %dma_start3A_452 = tpu.memref_squeeze %dma_start3A_451 : memref<1x128xi32, #tpu.memory_space<vmem>> -> memref<128xi32, #tpu.memory_space<vmem>>
        %dma_start3A_453 = arith.constant 0 : i32
        %dma_start3A_454 = arith.constant 0 : i32
        %dma_start3A_455 = tpu.memref_slice %arg11[%dma_start3A_453, %dma_start3A_454] : memref<10240x256xbf16, #tpu.memory_space<vmem_shared>> -> memref<10240x256xbf16, #tpu.memory_space<vmem_shared>>
        tpu.enqueue_indirect_dma source(%dma_start3A_449 : memref<128x256xbf16, #tpu.memory_space<vmem>>) target(%dma_start3A_455 : memref<10240x256xbf16, #tpu.memory_space<vmem_shared>>) offsets(%dma_start3A_452 : memref<128xi32, #tpu.memory_space<vmem>>) semaphore(%run_scoped3A_445 : memref<!tpu.dma_semaphore, #tpu.memory_space<semaphore_mem>>) {add = true}
        %dma_wait3A_456 = arith.constant 0 : i32
        %dma_wait3A_457 = arith.constant 0 : i32
        %dma_wait3A_458 = tpu.memref_slice %arg10[%run_scoped3A_195, %dma_wait3A_456, %dma_wait3A_457] : memref<2x128x256xbf16, #tpu.memory_space<vmem>> -> memref<1x128x256xbf16, #tpu.memory_space<vmem>>
        %dma_wait3A_459 = tpu.memref_squeeze %dma_wait3A_458 : memref<1x128x256xbf16, #tpu.memory_space<vmem>> -> memref<128x256xbf16, #tpu.memory_space<vmem>>
        %dma_wait3A_460 = arith.constant 0 : i32
        %dma_wait3A_461 = tpu.memref_slice %arg9[%run_scoped3A_196, %dma_wait3A_460] : memref<16x128xi32, #tpu.memory_space<vmem>> -> memref<1x128xi32, #tpu.memory_space<vmem>>
        %dma_wait3A_462 = tpu.memref_squeeze %dma_wait3A_461 : memref<1x128xi32, #tpu.memory_space<vmem>> -> memref<128xi32, #tpu.memory_space<vmem>>
        %dma_wait3A_463 = arith.constant 0 : i32
        %dma_wait3A_464 = arith.constant 0 : i32
        %dma_wait3A_465 = tpu.memref_slice %arg11[%dma_wait3A_463, %dma_wait3A_464] : memref<10240x256xbf16, #tpu.memory_space<vmem_shared>> -> memref<10240x256xbf16, #tpu.memory_space<vmem_shared>>
        tpu.wait_indirect_dma semaphore(%run_scoped3A_445 : memref<!tpu.dma_semaphore, #tpu.memory_space<semaphore_mem>>) src(%dma_wait3A_459 : memref<128x256xbf16, #tpu.memory_space<vmem>>) dst(%dma_wait3A_465 : memref<10240x256xbf16, #tpu.memory_space<vmem_shared>>)
        tpu.yield
      }) : () -> ()
      %dma_start3A_197 = arith.constant 7 : i32
      %dma_start3A_198 = arith.constant 1 : i32
      %dma_start3A_199 = arith.constant 0 : i32
      %dma_start3A_200 = arith.constant 0 : i32
      %dma_start3A_201 = tpu.memref_slice %arg10[%dma_start3A_198, %dma_start3A_199, %dma_start3A_200] : memref<2x128x256xbf16, #tpu.memory_space<vmem>> -> memref<1x128x256xbf16, #tpu.memory_space<vmem>>
      %dma_start3A_202 = tpu.memref_squeeze %dma_start3A_201 : memref<1x128x256xbf16, #tpu.memory_space<vmem>> -> memref<128x256xbf16, #tpu.memory_space<vmem>>
      %dma_start3A_203 = arith.constant 0 : i32
      %dma_start3A_204 = tpu.memref_slice %arg8[%dma_start3A_197, %dma_start3A_203] : memref<16x128xi32, #tpu.memory_space<vmem>> -> memref<1x128xi32, #tpu.memory_space<vmem>>
      %dma_start3A_205 = tpu.memref_squeeze %dma_start3A_204 : memref<1x128xi32, #tpu.memory_space<vmem>> -> memref<128xi32, #tpu.memory_space<vmem>>
      %dma_start3A_206 = arith.constant 0 : i32
      %dma_start3A_207 = arith.constant 0 : i32
      %dma_start3A_208 = tpu.memref_slice %arg2[%dma_start3A_206, %dma_start3A_207] : memref<10240x256xbf16, #tpu.memory_space<hbm>> -> memref<10240x256xbf16, #tpu.memory_space<hbm>>
      tpu.enqueue_indirect_dma source(%dma_start3A_208 : memref<10240x256xbf16, #tpu.memory_space<hbm>>) target(%dma_start3A_202 : memref<128x256xbf16, #tpu.memory_space<vmem>>) offsets(%dma_start3A_205 : memref<128xi32, #tpu.memory_space<vmem>>) semaphore(%arg13 : memref<!tpu.dma_semaphore, #tpu.memory_space<semaphore_mem>>)
      %dma_wait3A_209 = arith.constant 6 : i32
      %dma_wait3A_210 = arith.constant 0 : i32
      %dma_wait3A_211 = arith.constant 0 : i32
      %dma_wait3A_212 = arith.constant 0 : i32
      %dma_wait3A_213 = tpu.memref_slice %arg10[%dma_wait3A_210, %dma_wait3A_211, %dma_wait3A_212] : memref<2x128x256xbf16, #tpu.memory_space<vmem>> -> memref<1x128x256xbf16, #tpu.memory_space<vmem>>
      %dma_wait3A_214 = tpu.memref_squeeze %dma_wait3A_213 : memref<1x128x256xbf16, #tpu.memory_space<vmem>> -> memref<128x256xbf16, #tpu.memory_space<vmem>>
      %dma_wait3A_215 = arith.constant 0 : i32
      %dma_wait3A_216 = tpu.memref_slice %arg8[%dma_wait3A_209, %dma_wait3A_215] : memref<16x128xi32, #tpu.memory_space<vmem>> -> memref<1x128xi32, #tpu.memory_space<vmem>>
      %dma_wait3A_217 = tpu.memref_squeeze %dma_wait3A_216 : memref<1x128xi32, #tpu.memory_space<vmem>> -> memref<128xi32, #tpu.memory_space<vmem>>
      %dma_wait3A_218 = arith.constant 0 : i32
      %dma_wait3A_219 = arith.constant 0 : i32
      %dma_wait3A_220 = tpu.memref_slice %arg2[%dma_wait3A_218, %dma_wait3A_219] : memref<10240x256xbf16, #tpu.memory_space<hbm>> -> memref<10240x256xbf16, #tpu.memory_space<hbm>>
      tpu.wait_indirect_dma semaphore(%arg12 : memref<!tpu.dma_semaphore, #tpu.memory_space<semaphore_mem>>) src(%dma_wait3A_220 : memref<10240x256xbf16, #tpu.memory_space<hbm>>) dst(%dma_wait3A_214 : memref<128x256xbf16, #tpu.memory_space<vmem>>)
      %run_scoped3A_221 = arith.constant 0 : i32
      %run_scoped3A_222 = arith.constant 6 : i32
      "tpu.region"() ({
        %run_scoped3A_445 = tpu.sem_alloc : memref<!tpu.dma_semaphore, #tpu.memory_space<semaphore_mem>>
        %dma_start3A_446 = arith.constant 0 : i32
        %dma_start3A_447 = arith.constant 0 : i32
        %dma_start3A_448 = tpu.memref_slice %arg10[%run_scoped3A_221, %dma_start3A_446, %dma_start3A_447] : memref<2x128x256xbf16, #tpu.memory_space<vmem>> -> memref<1x128x256xbf16, #tpu.memory_space<vmem>>
        %dma_start3A_449 = tpu.memref_squeeze %dma_start3A_448 : memref<1x128x256xbf16, #tpu.memory_space<vmem>> -> memref<128x256xbf16, #tpu.memory_space<vmem>>
        %dma_start3A_450 = arith.constant 0 : i32
        %dma_start3A_451 = tpu.memref_slice %arg9[%run_scoped3A_222, %dma_start3A_450] : memref<16x128xi32, #tpu.memory_space<vmem>> -> memref<1x128xi32, #tpu.memory_space<vmem>>
        %dma_start3A_452 = tpu.memref_squeeze %dma_start3A_451 : memref<1x128xi32, #tpu.memory_space<vmem>> -> memref<128xi32, #tpu.memory_space<vmem>>
        %dma_start3A_453 = arith.constant 0 : i32
        %dma_start3A_454 = arith.constant 0 : i32
        %dma_start3A_455 = tpu.memref_slice %arg11[%dma_start3A_453, %dma_start3A_454] : memref<10240x256xbf16, #tpu.memory_space<vmem_shared>> -> memref<10240x256xbf16, #tpu.memory_space<vmem_shared>>
        tpu.enqueue_indirect_dma source(%dma_start3A_449 : memref<128x256xbf16, #tpu.memory_space<vmem>>) target(%dma_start3A_455 : memref<10240x256xbf16, #tpu.memory_space<vmem_shared>>) offsets(%dma_start3A_452 : memref<128xi32, #tpu.memory_space<vmem>>) semaphore(%run_scoped3A_445 : memref<!tpu.dma_semaphore, #tpu.memory_space<semaphore_mem>>) {add = true}
        %dma_wait3A_456 = arith.constant 0 : i32
        %dma_wait3A_457 = arith.constant 0 : i32
        %dma_wait3A_458 = tpu.memref_slice %arg10[%run_scoped3A_221, %dma_wait3A_456, %dma_wait3A_457] : memref<2x128x256xbf16, #tpu.memory_space<vmem>> -> memref<1x128x256xbf16, #tpu.memory_space<vmem>>
        %dma_wait3A_459 = tpu.memref_squeeze %dma_wait3A_458 : memref<1x128x256xbf16, #tpu.memory_space<vmem>> -> memref<128x256xbf16, #tpu.memory_space<vmem>>
        %dma_wait3A_460 = arith.constant 0 : i32
        %dma_wait3A_461 = tpu.memref_slice %arg9[%run_scoped3A_222, %dma_wait3A_460] : memref<16x128xi32, #tpu.memory_space<vmem>> -> memref<1x128xi32, #tpu.memory_space<vmem>>
        %dma_wait3A_462 = tpu.memref_squeeze %dma_wait3A_461 : memref<1x128xi32, #tpu.memory_space<vmem>> -> memref<128xi32, #tpu.memory_space<vmem>>
        %dma_wait3A_463 = arith.constant 0 : i32
        %dma_wait3A_464 = arith.constant 0 : i32
        %dma_wait3A_465 = tpu.memref_slice %arg11[%dma_wait3A_463, %dma_wait3A_464] : memref<10240x256xbf16, #tpu.memory_space<vmem_shared>> -> memref<10240x256xbf16, #tpu.memory_space<vmem_shared>>
        tpu.wait_indirect_dma semaphore(%run_scoped3A_445 : memref<!tpu.dma_semaphore, #tpu.memory_space<semaphore_mem>>) src(%dma_wait3A_459 : memref<128x256xbf16, #tpu.memory_space<vmem>>) dst(%dma_wait3A_465 : memref<10240x256xbf16, #tpu.memory_space<vmem_shared>>)
        tpu.yield
      }) : () -> ()
      %dma_start3A_223 = arith.constant 8 : i32
      %dma_start3A_224 = arith.constant 0 : i32
      %dma_start3A_225 = arith.constant 0 : i32
      %dma_start3A_226 = arith.constant 0 : i32
      %dma_start3A_227 = tpu.memref_slice %arg10[%dma_start3A_224, %dma_start3A_225, %dma_start3A_226] : memref<2x128x256xbf16, #tpu.memory_space<vmem>> -> memref<1x128x256xbf16, #tpu.memory_space<vmem>>
      %dma_start3A_228 = tpu.memref_squeeze %dma_start3A_227 : memref<1x128x256xbf16, #tpu.memory_space<vmem>> -> memref<128x256xbf16, #tpu.memory_space<vmem>>
      %dma_start3A_229 = arith.constant 0 : i32
      %dma_start3A_230 = tpu.memref_slice %arg8[%dma_start3A_223, %dma_start3A_229] : memref<16x128xi32, #tpu.memory_space<vmem>> -> memref<1x128xi32, #tpu.memory_space<vmem>>
      %dma_start3A_231 = tpu.memref_squeeze %dma_start3A_230 : memref<1x128xi32, #tpu.memory_space<vmem>> -> memref<128xi32, #tpu.memory_space<vmem>>
      %dma_start3A_232 = arith.constant 0 : i32
      %dma_start3A_233 = arith.constant 0 : i32
      %dma_start3A_234 = tpu.memref_slice %arg2[%dma_start3A_232, %dma_start3A_233] : memref<10240x256xbf16, #tpu.memory_space<hbm>> -> memref<10240x256xbf16, #tpu.memory_space<hbm>>
      tpu.enqueue_indirect_dma source(%dma_start3A_234 : memref<10240x256xbf16, #tpu.memory_space<hbm>>) target(%dma_start3A_228 : memref<128x256xbf16, #tpu.memory_space<vmem>>) offsets(%dma_start3A_231 : memref<128xi32, #tpu.memory_space<vmem>>) semaphore(%arg12 : memref<!tpu.dma_semaphore, #tpu.memory_space<semaphore_mem>>)
      %dma_wait3A_235 = arith.constant 7 : i32
      %dma_wait3A_236 = arith.constant 1 : i32
      %dma_wait3A_237 = arith.constant 0 : i32
      %dma_wait3A_238 = arith.constant 0 : i32
      %dma_wait3A_239 = tpu.memref_slice %arg10[%dma_wait3A_236, %dma_wait3A_237, %dma_wait3A_238] : memref<2x128x256xbf16, #tpu.memory_space<vmem>> -> memref<1x128x256xbf16, #tpu.memory_space<vmem>>
      %dma_wait3A_240 = tpu.memref_squeeze %dma_wait3A_239 : memref<1x128x256xbf16, #tpu.memory_space<vmem>> -> memref<128x256xbf16, #tpu.memory_space<vmem>>
      %dma_wait3A_241 = arith.constant 0 : i32
      %dma_wait3A_242 = tpu.memref_slice %arg8[%dma_wait3A_235, %dma_wait3A_241] : memref<16x128xi32, #tpu.memory_space<vmem>> -> memref<1x128xi32, #tpu.memory_space<vmem>>
      %dma_wait3A_243 = tpu.memref_squeeze %dma_wait3A_242 : memref<1x128xi32, #tpu.memory_space<vmem>> -> memref<128xi32, #tpu.memory_space<vmem>>
      %dma_wait3A_244 = arith.constant 0 : i32
      %dma_wait3A_245 = arith.constant 0 : i32
      %dma_wait3A_246 = tpu.memref_slice %arg2[%dma_wait3A_244, %dma_wait3A_245] : memref<10240x256xbf16, #tpu.memory_space<hbm>> -> memref<10240x256xbf16, #tpu.memory_space<hbm>>
      tpu.wait_indirect_dma semaphore(%arg13 : memref<!tpu.dma_semaphore, #tpu.memory_space<semaphore_mem>>) src(%dma_wait3A_246 : memref<10240x256xbf16, #tpu.memory_space<hbm>>) dst(%dma_wait3A_240 : memref<128x256xbf16, #tpu.memory_space<vmem>>)
      %run_scoped3A_247 = arith.constant 1 : i32
      %run_scoped3A_248 = arith.constant 7 : i32
      "tpu.region"() ({
        %run_scoped3A_445 = tpu.sem_alloc : memref<!tpu.dma_semaphore, #tpu.memory_space<semaphore_mem>>
        %dma_start3A_446 = arith.constant 0 : i32
        %dma_start3A_447 = arith.constant 0 : i32
        %dma_start3A_448 = tpu.memref_slice %arg10[%run_scoped3A_247, %dma_start3A_446, %dma_start3A_447] : memref<2x128x256xbf16, #tpu.memory_space<vmem>> -> memref<1x128x256xbf16, #tpu.memory_space<vmem>>
        %dma_start3A_449 = tpu.memref_squeeze %dma_start3A_448 : memref<1x128x256xbf16, #tpu.memory_space<vmem>> -> memref<128x256xbf16, #tpu.memory_space<vmem>>
        %dma_start3A_450 = arith.constant 0 : i32
        %dma_start3A_451 = tpu.memref_slice %arg9[%run_scoped3A_248, %dma_start3A_450] : memref<16x128xi32, #tpu.memory_space<vmem>> -> memref<1x128xi32, #tpu.memory_space<vmem>>
        %dma_start3A_452 = tpu.memref_squeeze %dma_start3A_451 : memref<1x128xi32, #tpu.memory_space<vmem>> -> memref<128xi32, #tpu.memory_space<vmem>>
        %dma_start3A_453 = arith.constant 0 : i32
        %dma_start3A_454 = arith.constant 0 : i32
        %dma_start3A_455 = tpu.memref_slice %arg11[%dma_start3A_453, %dma_start3A_454] : memref<10240x256xbf16, #tpu.memory_space<vmem_shared>> -> memref<10240x256xbf16, #tpu.memory_space<vmem_shared>>
        tpu.enqueue_indirect_dma source(%dma_start3A_449 : memref<128x256xbf16, #tpu.memory_space<vmem>>) target(%dma_start3A_455 : memref<10240x256xbf16, #tpu.memory_space<vmem_shared>>) offsets(%dma_start3A_452 : memref<128xi32, #tpu.memory_space<vmem>>) semaphore(%run_scoped3A_445 : memref<!tpu.dma_semaphore, #tpu.memory_space<semaphore_mem>>) {add = true}
        %dma_wait3A_456 = arith.constant 0 : i32
        %dma_wait3A_457 = arith.constant 0 : i32
        %dma_wait3A_458 = tpu.memref_slice %arg10[%run_scoped3A_247, %dma_wait3A_456, %dma_wait3A_457] : memref<2x128x256xbf16, #tpu.memory_space<vmem>> -> memref<1x128x256xbf16, #tpu.memory_space<vmem>>
        %dma_wait3A_459 = tpu.memref_squeeze %dma_wait3A_458 : memref<1x128x256xbf16, #tpu.memory_space<vmem>> -> memref<128x256xbf16, #tpu.memory_space<vmem>>
        %dma_wait3A_460 = arith.constant 0 : i32
        %dma_wait3A_461 = tpu.memref_slice %arg9[%run_scoped3A_248, %dma_wait3A_460] : memref<16x128xi32, #tpu.memory_space<vmem>> -> memref<1x128xi32, #tpu.memory_space<vmem>>
        %dma_wait3A_462 = tpu.memref_squeeze %dma_wait3A_461 : memref<1x128xi32, #tpu.memory_space<vmem>> -> memref<128xi32, #tpu.memory_space<vmem>>
        %dma_wait3A_463 = arith.constant 0 : i32
        %dma_wait3A_464 = arith.constant 0 : i32
        %dma_wait3A_465 = tpu.memref_slice %arg11[%dma_wait3A_463, %dma_wait3A_464] : memref<10240x256xbf16, #tpu.memory_space<vmem_shared>> -> memref<10240x256xbf16, #tpu.memory_space<vmem_shared>>
        tpu.wait_indirect_dma semaphore(%run_scoped3A_445 : memref<!tpu.dma_semaphore, #tpu.memory_space<semaphore_mem>>) src(%dma_wait3A_459 : memref<128x256xbf16, #tpu.memory_space<vmem>>) dst(%dma_wait3A_465 : memref<10240x256xbf16, #tpu.memory_space<vmem_shared>>)
        tpu.yield
      }) : () -> ()
      %dma_start3A_249 = arith.constant 9 : i32
      %dma_start3A_250 = arith.constant 1 : i32
      %dma_start3A_251 = arith.constant 0 : i32
      %dma_start3A_252 = arith.constant 0 : i32
      %dma_start3A_253 = tpu.memref_slice %arg10[%dma_start3A_250, %dma_start3A_251, %dma_start3A_252] : memref<2x128x256xbf16, #tpu.memory_space<vmem>> -> memref<1x128x256xbf16, #tpu.memory_space<vmem>>
      %dma_start3A_254 = tpu.memref_squeeze %dma_start3A_253 : memref<1x128x256xbf16, #tpu.memory_space<vmem>> -> memref<128x256xbf16, #tpu.memory_space<vmem>>
      %dma_start3A_255 = arith.constant 0 : i32
      %dma_start3A_256 = tpu.memref_slice %arg8[%dma_start3A_249, %dma_start3A_255] : memref<16x128xi32, #tpu.memory_space<vmem>> -> memref<1x128xi32, #tpu.memory_space<vmem>>
      %dma_start3A_257 = tpu.memref_squeeze %dma_start3A_256 : memref<1x128xi32, #tpu.memory_space<vmem>> -> memref<128xi32, #tpu.memory_space<vmem>>
      %dma_start3A_258 = arith.constant 0 : i32
      %dma_start3A_259 = arith.constant 0 : i32
      %dma_start3A_260 = tpu.memref_slice %arg2[%dma_start3A_258, %dma_start3A_259] : memref<10240x256xbf16, #tpu.memory_space<hbm>> -> memref<10240x256xbf16, #tpu.memory_space<hbm>>
      tpu.enqueue_indirect_dma source(%dma_start3A_260 : memref<10240x256xbf16, #tpu.memory_space<hbm>>) target(%dma_start3A_254 : memref<128x256xbf16, #tpu.memory_space<vmem>>) offsets(%dma_start3A_257 : memref<128xi32, #tpu.memory_space<vmem>>) semaphore(%arg13 : memref<!tpu.dma_semaphore, #tpu.memory_space<semaphore_mem>>)
      %dma_wait3A_261 = arith.constant 8 : i32
      %dma_wait3A_262 = arith.constant 0 : i32
      %dma_wait3A_263 = arith.constant 0 : i32
      %dma_wait3A_264 = arith.constant 0 : i32
      %dma_wait3A_265 = tpu.memref_slice %arg10[%dma_wait3A_262, %dma_wait3A_263, %dma_wait3A_264] : memref<2x128x256xbf16, #tpu.memory_space<vmem>> -> memref<1x128x256xbf16, #tpu.memory_space<vmem>>
      %dma_wait3A_266 = tpu.memref_squeeze %dma_wait3A_265 : memref<1x128x256xbf16, #tpu.memory_space<vmem>> -> memref<128x256xbf16, #tpu.memory_space<vmem>>
      %dma_wait3A_267 = arith.constant 0 : i32
      %dma_wait3A_268 = tpu.memref_slice %arg8[%dma_wait3A_261, %dma_wait3A_267] : memref<16x128xi32, #tpu.memory_space<vmem>> -> memref<1x128xi32, #tpu.memory_space<vmem>>
      %dma_wait3A_269 = tpu.memref_squeeze %dma_wait3A_268 : memref<1x128xi32, #tpu.memory_space<vmem>> -> memref<128xi32, #tpu.memory_space<vmem>>
      %dma_wait3A_270 = arith.constant 0 : i32
      %dma_wait3A_271 = arith.constant 0 : i32
      %dma_wait3A_272 = tpu.memref_slice %arg2[%dma_wait3A_270, %dma_wait3A_271] : memref<10240x256xbf16, #tpu.memory_space<hbm>> -> memref<10240x256xbf16, #tpu.memory_space<hbm>>
      tpu.wait_indirect_dma semaphore(%arg12 : memref<!tpu.dma_semaphore, #tpu.memory_space<semaphore_mem>>) src(%dma_wait3A_272 : memref<10240x256xbf16, #tpu.memory_space<hbm>>) dst(%dma_wait3A_266 : memref<128x256xbf16, #tpu.memory_space<vmem>>)
      %run_scoped3A_273 = arith.constant 0 : i32
      %run_scoped3A_274 = arith.constant 8 : i32
      "tpu.region"() ({
        %run_scoped3A_445 = tpu.sem_alloc : memref<!tpu.dma_semaphore, #tpu.memory_space<semaphore_mem>>
        %dma_start3A_446 = arith.constant 0 : i32
        %dma_start3A_447 = arith.constant 0 : i32
        %dma_start3A_448 = tpu.memref_slice %arg10[%run_scoped3A_273, %dma_start3A_446, %dma_start3A_447] : memref<2x128x256xbf16, #tpu.memory_space<vmem>> -> memref<1x128x256xbf16, #tpu.memory_space<vmem>>
        %dma_start3A_449 = tpu.memref_squeeze %dma_start3A_448 : memref<1x128x256xbf16, #tpu.memory_space<vmem>> -> memref<128x256xbf16, #tpu.memory_space<vmem>>
        %dma_start3A_450 = arith.constant 0 : i32
        %dma_start3A_451 = tpu.memref_slice %arg9[%run_scoped3A_274, %dma_start3A_450] : memref<16x128xi32, #tpu.memory_space<vmem>> -> memref<1x128xi32, #tpu.memory_space<vmem>>
        %dma_start3A_452 = tpu.memref_squeeze %dma_start3A_451 : memref<1x128xi32, #tpu.memory_space<vmem>> -> memref<128xi32, #tpu.memory_space<vmem>>
        %dma_start3A_453 = arith.constant 0 : i32
        %dma_start3A_454 = arith.constant 0 : i32
        %dma_start3A_455 = tpu.memref_slice %arg11[%dma_start3A_453, %dma_start3A_454] : memref<10240x256xbf16, #tpu.memory_space<vmem_shared>> -> memref<10240x256xbf16, #tpu.memory_space<vmem_shared>>
        tpu.enqueue_indirect_dma source(%dma_start3A_449 : memref<128x256xbf16, #tpu.memory_space<vmem>>) target(%dma_start3A_455 : memref<10240x256xbf16, #tpu.memory_space<vmem_shared>>) offsets(%dma_start3A_452 : memref<128xi32, #tpu.memory_space<vmem>>) semaphore(%run_scoped3A_445 : memref<!tpu.dma_semaphore, #tpu.memory_space<semaphore_mem>>) {add = true}
        %dma_wait3A_456 = arith.constant 0 : i32
        %dma_wait3A_457 = arith.constant 0 : i32
        %dma_wait3A_458 = tpu.memref_slice %arg10[%run_scoped3A_273, %dma_wait3A_456, %dma_wait3A_457] : memref<2x128x256xbf16, #tpu.memory_space<vmem>> -> memref<1x128x256xbf16, #tpu.memory_space<vmem>>
        %dma_wait3A_459 = tpu.memref_squeeze %dma_wait3A_458 : memref<1x128x256xbf16, #tpu.memory_space<vmem>> -> memref<128x256xbf16, #tpu.memory_space<vmem>>
        %dma_wait3A_460 = arith.constant 0 : i32
        %dma_wait3A_461 = tpu.memref_slice %arg9[%run_scoped3A_274, %dma_wait3A_460] : memref<16x128xi32, #tpu.memory_space<vmem>> -> memref<1x128xi32, #tpu.memory_space<vmem>>
        %dma_wait3A_462 = tpu.memref_squeeze %dma_wait3A_461 : memref<1x128xi32, #tpu.memory_space<vmem>> -> memref<128xi32, #tpu.memory_space<vmem>>
        %dma_wait3A_463 = arith.constant 0 : i32
        %dma_wait3A_464 = arith.constant 0 : i32
        %dma_wait3A_465 = tpu.memref_slice %arg11[%dma_wait3A_463, %dma_wait3A_464] : memref<10240x256xbf16, #tpu.memory_space<vmem_shared>> -> memref<10240x256xbf16, #tpu.memory_space<vmem_shared>>
        tpu.wait_indirect_dma semaphore(%run_scoped3A_445 : memref<!tpu.dma_semaphore, #tpu.memory_space<semaphore_mem>>) src(%dma_wait3A_459 : memref<128x256xbf16, #tpu.memory_space<vmem>>) dst(%dma_wait3A_465 : memref<10240x256xbf16, #tpu.memory_space<vmem_shared>>)
        tpu.yield
      }) : () -> ()
      %dma_start3A_275 = arith.constant 10 : i32
      %dma_start3A_276 = arith.constant 0 : i32
      %dma_start3A_277 = arith.constant 0 : i32
      %dma_start3A_278 = arith.constant 0 : i32
      %dma_start3A_279 = tpu.memref_slice %arg10[%dma_start3A_276, %dma_start3A_277, %dma_start3A_278] : memref<2x128x256xbf16, #tpu.memory_space<vmem>> -> memref<1x128x256xbf16, #tpu.memory_space<vmem>>
      %dma_start3A_280 = tpu.memref_squeeze %dma_start3A_279 : memref<1x128x256xbf16, #tpu.memory_space<vmem>> -> memref<128x256xbf16, #tpu.memory_space<vmem>>
      %dma_start3A_281 = arith.constant 0 : i32
      %dma_start3A_282 = tpu.memref_slice %arg8[%dma_start3A_275, %dma_start3A_281] : memref<16x128xi32, #tpu.memory_space<vmem>> -> memref<1x128xi32, #tpu.memory_space<vmem>>
      %dma_start3A_283 = tpu.memref_squeeze %dma_start3A_282 : memref<1x128xi32, #tpu.memory_space<vmem>> -> memref<128xi32, #tpu.memory_space<vmem>>
      %dma_start3A_284 = arith.constant 0 : i32
      %dma_start3A_285 = arith.constant 0 : i32
      %dma_start3A_286 = tpu.memref_slice %arg2[%dma_start3A_284, %dma_start3A_285] : memref<10240x256xbf16, #tpu.memory_space<hbm>> -> memref<10240x256xbf16, #tpu.memory_space<hbm>>
      tpu.enqueue_indirect_dma source(%dma_start3A_286 : memref<10240x256xbf16, #tpu.memory_space<hbm>>) target(%dma_start3A_280 : memref<128x256xbf16, #tpu.memory_space<vmem>>) offsets(%dma_start3A_283 : memref<128xi32, #tpu.memory_space<vmem>>) semaphore(%arg12 : memref<!tpu.dma_semaphore, #tpu.memory_space<semaphore_mem>>)
      %dma_wait3A_287 = arith.constant 9 : i32
      %dma_wait3A_288 = arith.constant 1 : i32
      %dma_wait3A_289 = arith.constant 0 : i32
      %dma_wait3A_290 = arith.constant 0 : i32
      %dma_wait3A_291 = tpu.memref_slice %arg10[%dma_wait3A_288, %dma_wait3A_289, %dma_wait3A_290] : memref<2x128x256xbf16, #tpu.memory_space<vmem>> -> memref<1x128x256xbf16, #tpu.memory_space<vmem>>
      %dma_wait3A_292 = tpu.memref_squeeze %dma_wait3A_291 : memref<1x128x256xbf16, #tpu.memory_space<vmem>> -> memref<128x256xbf16, #tpu.memory_space<vmem>>
      %dma_wait3A_293 = arith.constant 0 : i32
      %dma_wait3A_294 = tpu.memref_slice %arg8[%dma_wait3A_287, %dma_wait3A_293] : memref<16x128xi32, #tpu.memory_space<vmem>> -> memref<1x128xi32, #tpu.memory_space<vmem>>
      %dma_wait3A_295 = tpu.memref_squeeze %dma_wait3A_294 : memref<1x128xi32, #tpu.memory_space<vmem>> -> memref<128xi32, #tpu.memory_space<vmem>>
      %dma_wait3A_296 = arith.constant 0 : i32
      %dma_wait3A_297 = arith.constant 0 : i32
      %dma_wait3A_298 = tpu.memref_slice %arg2[%dma_wait3A_296, %dma_wait3A_297] : memref<10240x256xbf16, #tpu.memory_space<hbm>> -> memref<10240x256xbf16, #tpu.memory_space<hbm>>
      tpu.wait_indirect_dma semaphore(%arg13 : memref<!tpu.dma_semaphore, #tpu.memory_space<semaphore_mem>>) src(%dma_wait3A_298 : memref<10240x256xbf16, #tpu.memory_space<hbm>>) dst(%dma_wait3A_292 : memref<128x256xbf16, #tpu.memory_space<vmem>>)
      %run_scoped3A_299 = arith.constant 1 : i32
      %run_scoped3A_300 = arith.constant 9 : i32
      "tpu.region"() ({
        %run_scoped3A_445 = tpu.sem_alloc : memref<!tpu.dma_semaphore, #tpu.memory_space<semaphore_mem>>
        %dma_start3A_446 = arith.constant 0 : i32
        %dma_start3A_447 = arith.constant 0 : i32
        %dma_start3A_448 = tpu.memref_slice %arg10[%run_scoped3A_299, %dma_start3A_446, %dma_start3A_447] : memref<2x128x256xbf16, #tpu.memory_space<vmem>> -> memref<1x128x256xbf16, #tpu.memory_space<vmem>>
        %dma_start3A_449 = tpu.memref_squeeze %dma_start3A_448 : memref<1x128x256xbf16, #tpu.memory_space<vmem>> -> memref<128x256xbf16, #tpu.memory_space<vmem>>
        %dma_start3A_450 = arith.constant 0 : i32
        %dma_start3A_451 = tpu.memref_slice %arg9[%run_scoped3A_300, %dma_start3A_450] : memref<16x128xi32, #tpu.memory_space<vmem>> -> memref<1x128xi32, #tpu.memory_space<vmem>>
        %dma_start3A_452 = tpu.memref_squeeze %dma_start3A_451 : memref<1x128xi32, #tpu.memory_space<vmem>> -> memref<128xi32, #tpu.memory_space<vmem>>
        %dma_start3A_453 = arith.constant 0 : i32
        %dma_start3A_454 = arith.constant 0 : i32
        %dma_start3A_455 = tpu.memref_slice %arg11[%dma_start3A_453, %dma_start3A_454] : memref<10240x256xbf16, #tpu.memory_space<vmem_shared>> -> memref<10240x256xbf16, #tpu.memory_space<vmem_shared>>
        tpu.enqueue_indirect_dma source(%dma_start3A_449 : memref<128x256xbf16, #tpu.memory_space<vmem>>) target(%dma_start3A_455 : memref<10240x256xbf16, #tpu.memory_space<vmem_shared>>) offsets(%dma_start3A_452 : memref<128xi32, #tpu.memory_space<vmem>>) semaphore(%run_scoped3A_445 : memref<!tpu.dma_semaphore, #tpu.memory_space<semaphore_mem>>) {add = true}
        %dma_wait3A_456 = arith.constant 0 : i32
        %dma_wait3A_457 = arith.constant 0 : i32
        %dma_wait3A_458 = tpu.memref_slice %arg10[%run_scoped3A_299, %dma_wait3A_456, %dma_wait3A_457] : memref<2x128x256xbf16, #tpu.memory_space<vmem>> -> memref<1x128x256xbf16, #tpu.memory_space<vmem>>
        %dma_wait3A_459 = tpu.memref_squeeze %dma_wait3A_458 : memref<1x128x256xbf16, #tpu.memory_space<vmem>> -> memref<128x256xbf16, #tpu.memory_space<vmem>>
        %dma_wait3A_460 = arith.constant 0 : i32
        %dma_wait3A_461 = tpu.memref_slice %arg9[%run_scoped3A_300, %dma_wait3A_460] : memref<16x128xi32, #tpu.memory_space<vmem>> -> memref<1x128xi32, #tpu.memory_space<vmem>>
        %dma_wait3A_462 = tpu.memref_squeeze %dma_wait3A_461 : memref<1x128xi32, #tpu.memory_space<vmem>> -> memref<128xi32, #tpu.memory_space<vmem>>
        %dma_wait3A_463 = arith.constant 0 : i32
        %dma_wait3A_464 = arith.constant 0 : i32
        %dma_wait3A_465 = tpu.memref_slice %arg11[%dma_wait3A_463, %dma_wait3A_464] : memref<10240x256xbf16, #tpu.memory_space<vmem_shared>> -> memref<10240x256xbf16, #tpu.memory_space<vmem_shared>>
        tpu.wait_indirect_dma semaphore(%run_scoped3A_445 : memref<!tpu.dma_semaphore, #tpu.memory_space<semaphore_mem>>) src(%dma_wait3A_459 : memref<128x256xbf16, #tpu.memory_space<vmem>>) dst(%dma_wait3A_465 : memref<10240x256xbf16, #tpu.memory_space<vmem_shared>>)
        tpu.yield
      }) : () -> ()
      %dma_start3A_301 = arith.constant 11 : i32
      %dma_start3A_302 = arith.constant 1 : i32
      %dma_start3A_303 = arith.constant 0 : i32
      %dma_start3A_304 = arith.constant 0 : i32
      %dma_start3A_305 = tpu.memref_slice %arg10[%dma_start3A_302, %dma_start3A_303, %dma_start3A_304] : memref<2x128x256xbf16, #tpu.memory_space<vmem>> -> memref<1x128x256xbf16, #tpu.memory_space<vmem>>
      %dma_start3A_306 = tpu.memref_squeeze %dma_start3A_305 : memref<1x128x256xbf16, #tpu.memory_space<vmem>> -> memref<128x256xbf16, #tpu.memory_space<vmem>>
      %dma_start3A_307 = arith.constant 0 : i32
      %dma_start3A_308 = tpu.memref_slice %arg8[%dma_start3A_301, %dma_start3A_307] : memref<16x128xi32, #tpu.memory_space<vmem>> -> memref<1x128xi32, #tpu.memory_space<vmem>>
      %dma_start3A_309 = tpu.memref_squeeze %dma_start3A_308 : memref<1x128xi32, #tpu.memory_space<vmem>> -> memref<128xi32, #tpu.memory_space<vmem>>
      %dma_start3A_310 = arith.constant 0 : i32
      %dma_start3A_311 = arith.constant 0 : i32
      %dma_start3A_312 = tpu.memref_slice %arg2[%dma_start3A_310, %dma_start3A_311] : memref<10240x256xbf16, #tpu.memory_space<hbm>> -> memref<10240x256xbf16, #tpu.memory_space<hbm>>
      tpu.enqueue_indirect_dma source(%dma_start3A_312 : memref<10240x256xbf16, #tpu.memory_space<hbm>>) target(%dma_start3A_306 : memref<128x256xbf16, #tpu.memory_space<vmem>>) offsets(%dma_start3A_309 : memref<128xi32, #tpu.memory_space<vmem>>) semaphore(%arg13 : memref<!tpu.dma_semaphore, #tpu.memory_space<semaphore_mem>>)
      %dma_wait3A_313 = arith.constant 10 : i32
      %dma_wait3A_314 = arith.constant 0 : i32
      %dma_wait3A_315 = arith.constant 0 : i32
      %dma_wait3A_316 = arith.constant 0 : i32
      %dma_wait3A_317 = tpu.memref_slice %arg10[%dma_wait3A_314, %dma_wait3A_315, %dma_wait3A_316] : memref<2x128x256xbf16, #tpu.memory_space<vmem>> -> memref<1x128x256xbf16, #tpu.memory_space<vmem>>
      %dma_wait3A_318 = tpu.memref_squeeze %dma_wait3A_317 : memref<1x128x256xbf16, #tpu.memory_space<vmem>> -> memref<128x256xbf16, #tpu.memory_space<vmem>>
      %dma_wait3A_319 = arith.constant 0 : i32
      %dma_wait3A_320 = tpu.memref_slice %arg8[%dma_wait3A_313, %dma_wait3A_319] : memref<16x128xi32, #tpu.memory_space<vmem>> -> memref<1x128xi32, #tpu.memory_space<vmem>>
      %dma_wait3A_321 = tpu.memref_squeeze %dma_wait3A_320 : memref<1x128xi32, #tpu.memory_space<vmem>> -> memref<128xi32, #tpu.memory_space<vmem>>
      %dma_wait3A_322 = arith.constant 0 : i32
      %dma_wait3A_323 = arith.constant 0 : i32
      %dma_wait3A_324 = tpu.memref_slice %arg2[%dma_wait3A_322, %dma_wait3A_323] : memref<10240x256xbf16, #tpu.memory_space<hbm>> -> memref<10240x256xbf16, #tpu.memory_space<hbm>>
      tpu.wait_indirect_dma semaphore(%arg12 : memref<!tpu.dma_semaphore, #tpu.memory_space<semaphore_mem>>) src(%dma_wait3A_324 : memref<10240x256xbf16, #tpu.memory_space<hbm>>) dst(%dma_wait3A_318 : memref<128x256xbf16, #tpu.memory_space<vmem>>)
      %run_scoped3A_325 = arith.constant 0 : i32
      %run_scoped3A_326 = arith.constant 10 : i32
      "tpu.region"() ({
        %run_scoped3A_445 = tpu.sem_alloc : memref<!tpu.dma_semaphore, #tpu.memory_space<semaphore_mem>>
        %dma_start3A_446 = arith.constant 0 : i32
        %dma_start3A_447 = arith.constant 0 : i32
        %dma_start3A_448 = tpu.memref_slice %arg10[%run_scoped3A_325, %dma_start3A_446, %dma_start3A_447] : memref<2x128x256xbf16, #tpu.memory_space<vmem>> -> memref<1x128x256xbf16, #tpu.memory_space<vmem>>
        %dma_start3A_449 = tpu.memref_squeeze %dma_start3A_448 : memref<1x128x256xbf16, #tpu.memory_space<vmem>> -> memref<128x256xbf16, #tpu.memory_space<vmem>>
        %dma_start3A_450 = arith.constant 0 : i32
        %dma_start3A_451 = tpu.memref_slice %arg9[%run_scoped3A_326, %dma_start3A_450] : memref<16x128xi32, #tpu.memory_space<vmem>> -> memref<1x128xi32, #tpu.memory_space<vmem>>
        %dma_start3A_452 = tpu.memref_squeeze %dma_start3A_451 : memref<1x128xi32, #tpu.memory_space<vmem>> -> memref<128xi32, #tpu.memory_space<vmem>>
        %dma_start3A_453 = arith.constant 0 : i32
        %dma_start3A_454 = arith.constant 0 : i32
        %dma_start3A_455 = tpu.memref_slice %arg11[%dma_start3A_453, %dma_start3A_454] : memref<10240x256xbf16, #tpu.memory_space<vmem_shared>> -> memref<10240x256xbf16, #tpu.memory_space<vmem_shared>>
        tpu.enqueue_indirect_dma source(%dma_start3A_449 : memref<128x256xbf16, #tpu.memory_space<vmem>>) target(%dma_start3A_455 : memref<10240x256xbf16, #tpu.memory_space<vmem_shared>>) offsets(%dma_start3A_452 : memref<128xi32, #tpu.memory_space<vmem>>) semaphore(%run_scoped3A_445 : memref<!tpu.dma_semaphore, #tpu.memory_space<semaphore_mem>>) {add = true}
        %dma_wait3A_456 = arith.constant 0 : i32
        %dma_wait3A_457 = arith.constant 0 : i32
        %dma_wait3A_458 = tpu.memref_slice %arg10[%run_scoped3A_325, %dma_wait3A_456, %dma_wait3A_457] : memref<2x128x256xbf16, #tpu.memory_space<vmem>> -> memref<1x128x256xbf16, #tpu.memory_space<vmem>>
        %dma_wait3A_459 = tpu.memref_squeeze %dma_wait3A_458 : memref<1x128x256xbf16, #tpu.memory_space<vmem>> -> memref<128x256xbf16, #tpu.memory_space<vmem>>
        %dma_wait3A_460 = arith.constant 0 : i32
        %dma_wait3A_461 = tpu.memref_slice %arg9[%run_scoped3A_326, %dma_wait3A_460] : memref<16x128xi32, #tpu.memory_space<vmem>> -> memref<1x128xi32, #tpu.memory_space<vmem>>
        %dma_wait3A_462 = tpu.memref_squeeze %dma_wait3A_461 : memref<1x128xi32, #tpu.memory_space<vmem>> -> memref<128xi32, #tpu.memory_space<vmem>>
        %dma_wait3A_463 = arith.constant 0 : i32
        %dma_wait3A_464 = arith.constant 0 : i32
        %dma_wait3A_465 = tpu.memref_slice %arg11[%dma_wait3A_463, %dma_wait3A_464] : memref<10240x256xbf16, #tpu.memory_space<vmem_shared>> -> memref<10240x256xbf16, #tpu.memory_space<vmem_shared>>
        tpu.wait_indirect_dma semaphore(%run_scoped3A_445 : memref<!tpu.dma_semaphore, #tpu.memory_space<semaphore_mem>>) src(%dma_wait3A_459 : memref<128x256xbf16, #tpu.memory_space<vmem>>) dst(%dma_wait3A_465 : memref<10240x256xbf16, #tpu.memory_space<vmem_shared>>)
        tpu.yield
      }) : () -> ()
      %dma_start3A_327 = arith.constant 12 : i32
      %dma_start3A_328 = arith.constant 0 : i32
      %dma_start3A_329 = arith.constant 0 : i32
      %dma_start3A_330 = arith.constant 0 : i32
      %dma_start3A_331 = tpu.memref_slice %arg10[%dma_start3A_328, %dma_start3A_329, %dma_start3A_330] : memref<2x128x256xbf16, #tpu.memory_space<vmem>> -> memref<1x128x256xbf16, #tpu.memory_space<vmem>>
      %dma_start3A_332 = tpu.memref_squeeze %dma_start3A_331 : memref<1x128x256xbf16, #tpu.memory_space<vmem>> -> memref<128x256xbf16, #tpu.memory_space<vmem>>
      %dma_start3A_333 = arith.constant 0 : i32
      %dma_start3A_334 = tpu.memref_slice %arg8[%dma_start3A_327, %dma_start3A_333] : memref<16x128xi32, #tpu.memory_space<vmem>> -> memref<1x128xi32, #tpu.memory_space<vmem>>
      %dma_start3A_335 = tpu.memref_squeeze %dma_start3A_334 : memref<1x128xi32, #tpu.memory_space<vmem>> -> memref<128xi32, #tpu.memory_space<vmem>>
      %dma_start3A_336 = arith.constant 0 : i32
      %dma_start3A_337 = arith.constant 0 : i32
      %dma_start3A_338 = tpu.memref_slice %arg2[%dma_start3A_336, %dma_start3A_337] : memref<10240x256xbf16, #tpu.memory_space<hbm>> -> memref<10240x256xbf16, #tpu.memory_space<hbm>>
      tpu.enqueue_indirect_dma source(%dma_start3A_338 : memref<10240x256xbf16, #tpu.memory_space<hbm>>) target(%dma_start3A_332 : memref<128x256xbf16, #tpu.memory_space<vmem>>) offsets(%dma_start3A_335 : memref<128xi32, #tpu.memory_space<vmem>>) semaphore(%arg12 : memref<!tpu.dma_semaphore, #tpu.memory_space<semaphore_mem>>)
      %dma_wait3A_339 = arith.constant 11 : i32
      %dma_wait3A_340 = arith.constant 1 : i32
      %dma_wait3A_341 = arith.constant 0 : i32
      %dma_wait3A_342 = arith.constant 0 : i32
      %dma_wait3A_343 = tpu.memref_slice %arg10[%dma_wait3A_340, %dma_wait3A_341, %dma_wait3A_342] : memref<2x128x256xbf16, #tpu.memory_space<vmem>> -> memref<1x128x256xbf16, #tpu.memory_space<vmem>>
      %dma_wait3A_344 = tpu.memref_squeeze %dma_wait3A_343 : memref<1x128x256xbf16, #tpu.memory_space<vmem>> -> memref<128x256xbf16, #tpu.memory_space<vmem>>
      %dma_wait3A_345 = arith.constant 0 : i32
      %dma_wait3A_346 = tpu.memref_slice %arg8[%dma_wait3A_339, %dma_wait3A_345] : memref<16x128xi32, #tpu.memory_space<vmem>> -> memref<1x128xi32, #tpu.memory_space<vmem>>
      %dma_wait3A_347 = tpu.memref_squeeze %dma_wait3A_346 : memref<1x128xi32, #tpu.memory_space<vmem>> -> memref<128xi32, #tpu.memory_space<vmem>>
      %dma_wait3A_348 = arith.constant 0 : i32
      %dma_wait3A_349 = arith.constant 0 : i32
      %dma_wait3A_350 = tpu.memref_slice %arg2[%dma_wait3A_348, %dma_wait3A_349] : memref<10240x256xbf16, #tpu.memory_space<hbm>> -> memref<10240x256xbf16, #tpu.memory_space<hbm>>
      tpu.wait_indirect_dma semaphore(%arg13 : memref<!tpu.dma_semaphore, #tpu.memory_space<semaphore_mem>>) src(%dma_wait3A_350 : memref<10240x256xbf16, #tpu.memory_space<hbm>>) dst(%dma_wait3A_344 : memref<128x256xbf16, #tpu.memory_space<vmem>>)
      %run_scoped3A_351 = arith.constant 1 : i32
      %run_scoped3A_352 = arith.constant 11 : i32
      "tpu.region"() ({
        %run_scoped3A_445 = tpu.sem_alloc : memref<!tpu.dma_semaphore, #tpu.memory_space<semaphore_mem>>
        %dma_start3A_446 = arith.constant 0 : i32
        %dma_start3A_447 = arith.constant 0 : i32
        %dma_start3A_448 = tpu.memref_slice %arg10[%run_scoped3A_351, %dma_start3A_446, %dma_start3A_447] : memref<2x128x256xbf16, #tpu.memory_space<vmem>> -> memref<1x128x256xbf16, #tpu.memory_space<vmem>>
        %dma_start3A_449 = tpu.memref_squeeze %dma_start3A_448 : memref<1x128x256xbf16, #tpu.memory_space<vmem>> -> memref<128x256xbf16, #tpu.memory_space<vmem>>
        %dma_start3A_450 = arith.constant 0 : i32
        %dma_start3A_451 = tpu.memref_slice %arg9[%run_scoped3A_352, %dma_start3A_450] : memref<16x128xi32, #tpu.memory_space<vmem>> -> memref<1x128xi32, #tpu.memory_space<vmem>>
        %dma_start3A_452 = tpu.memref_squeeze %dma_start3A_451 : memref<1x128xi32, #tpu.memory_space<vmem>> -> memref<128xi32, #tpu.memory_space<vmem>>
        %dma_start3A_453 = arith.constant 0 : i32
        %dma_start3A_454 = arith.constant 0 : i32
        %dma_start3A_455 = tpu.memref_slice %arg11[%dma_start3A_453, %dma_start3A_454] : memref<10240x256xbf16, #tpu.memory_space<vmem_shared>> -> memref<10240x256xbf16, #tpu.memory_space<vmem_shared>>
        tpu.enqueue_indirect_dma source(%dma_start3A_449 : memref<128x256xbf16, #tpu.memory_space<vmem>>) target(%dma_start3A_455 : memref<10240x256xbf16, #tpu.memory_space<vmem_shared>>) offsets(%dma_start3A_452 : memref<128xi32, #tpu.memory_space<vmem>>) semaphore(%run_scoped3A_445 : memref<!tpu.dma_semaphore, #tpu.memory_space<semaphore_mem>>) {add = true}
        %dma_wait3A_456 = arith.constant 0 : i32
        %dma_wait3A_457 = arith.constant 0 : i32
        %dma_wait3A_458 = tpu.memref_slice %arg10[%run_scoped3A_351, %dma_wait3A_456, %dma_wait3A_457] : memref<2x128x256xbf16, #tpu.memory_space<vmem>> -> memref<1x128x256xbf16, #tpu.memory_space<vmem>>
        %dma_wait3A_459 = tpu.memref_squeeze %dma_wait3A_458 : memref<1x128x256xbf16, #tpu.memory_space<vmem>> -> memref<128x256xbf16, #tpu.memory_space<vmem>>
        %dma_wait3A_460 = arith.constant 0 : i32
        %dma_wait3A_461 = tpu.memref_slice %arg9[%run_scoped3A_352, %dma_wait3A_460] : memref<16x128xi32, #tpu.memory_space<vmem>> -> memref<1x128xi32, #tpu.memory_space<vmem>>
        %dma_wait3A_462 = tpu.memref_squeeze %dma_wait3A_461 : memref<1x128xi32, #tpu.memory_space<vmem>> -> memref<128xi32, #tpu.memory_space<vmem>>
        %dma_wait3A_463 = arith.constant 0 : i32
        %dma_wait3A_464 = arith.constant 0 : i32
        %dma_wait3A_465 = tpu.memref_slice %arg11[%dma_wait3A_463, %dma_wait3A_464] : memref<10240x256xbf16, #tpu.memory_space<vmem_shared>> -> memref<10240x256xbf16, #tpu.memory_space<vmem_shared>>
        tpu.wait_indirect_dma semaphore(%run_scoped3A_445 : memref<!tpu.dma_semaphore, #tpu.memory_space<semaphore_mem>>) src(%dma_wait3A_459 : memref<128x256xbf16, #tpu.memory_space<vmem>>) dst(%dma_wait3A_465 : memref<10240x256xbf16, #tpu.memory_space<vmem_shared>>)
        tpu.yield
      }) : () -> ()
      %dma_start3A_353 = arith.constant 13 : i32
      %dma_start3A_354 = arith.constant 1 : i32
      %dma_start3A_355 = arith.constant 0 : i32
      %dma_start3A_356 = arith.constant 0 : i32
      %dma_start3A_357 = tpu.memref_slice %arg10[%dma_start3A_354, %dma_start3A_355, %dma_start3A_356] : memref<2x128x256xbf16, #tpu.memory_space<vmem>> -> memref<1x128x256xbf16, #tpu.memory_space<vmem>>
      %dma_start3A_358 = tpu.memref_squeeze %dma_start3A_357 : memref<1x128x256xbf16, #tpu.memory_space<vmem>> -> memref<128x256xbf16, #tpu.memory_space<vmem>>
      %dma_start3A_359 = arith.constant 0 : i32
      %dma_start3A_360 = tpu.memref_slice %arg8[%dma_start3A_353, %dma_start3A_359] : memref<16x128xi32, #tpu.memory_space<vmem>> -> memref<1x128xi32, #tpu.memory_space<vmem>>
      %dma_start3A_361 = tpu.memref_squeeze %dma_start3A_360 : memref<1x128xi32, #tpu.memory_space<vmem>> -> memref<128xi32, #tpu.memory_space<vmem>>
      %dma_start3A_362 = arith.constant 0 : i32
      %dma_start3A_363 = arith.constant 0 : i32
      %dma_start3A_364 = tpu.memref_slice %arg2[%dma_start3A_362, %dma_start3A_363] : memref<10240x256xbf16, #tpu.memory_space<hbm>> -> memref<10240x256xbf16, #tpu.memory_space<hbm>>
      tpu.enqueue_indirect_dma source(%dma_start3A_364 : memref<10240x256xbf16, #tpu.memory_space<hbm>>) target(%dma_start3A_358 : memref<128x256xbf16, #tpu.memory_space<vmem>>) offsets(%dma_start3A_361 : memref<128xi32, #tpu.memory_space<vmem>>) semaphore(%arg13 : memref<!tpu.dma_semaphore, #tpu.memory_space<semaphore_mem>>)
      %dma_wait3A_365 = arith.constant 12 : i32
      %dma_wait3A_366 = arith.constant 0 : i32
      %dma_wait3A_367 = arith.constant 0 : i32
      %dma_wait3A_368 = arith.constant 0 : i32
      %dma_wait3A_369 = tpu.memref_slice %arg10[%dma_wait3A_366, %dma_wait3A_367, %dma_wait3A_368] : memref<2x128x256xbf16, #tpu.memory_space<vmem>> -> memref<1x128x256xbf16, #tpu.memory_space<vmem>>
      %dma_wait3A_370 = tpu.memref_squeeze %dma_wait3A_369 : memref<1x128x256xbf16, #tpu.memory_space<vmem>> -> memref<128x256xbf16, #tpu.memory_space<vmem>>
      %dma_wait3A_371 = arith.constant 0 : i32
      %dma_wait3A_372 = tpu.memref_slice %arg8[%dma_wait3A_365, %dma_wait3A_371] : memref<16x128xi32, #tpu.memory_space<vmem>> -> memref<1x128xi32, #tpu.memory_space<vmem>>
      %dma_wait3A_373 = tpu.memref_squeeze %dma_wait3A_372 : memref<1x128xi32, #tpu.memory_space<vmem>> -> memref<128xi32, #tpu.memory_space<vmem>>
      %dma_wait3A_374 = arith.constant 0 : i32
      %dma_wait3A_375 = arith.constant 0 : i32
      %dma_wait3A_376 = tpu.memref_slice %arg2[%dma_wait3A_374, %dma_wait3A_375] : memref<10240x256xbf16, #tpu.memory_space<hbm>> -> memref<10240x256xbf16, #tpu.memory_space<hbm>>
      tpu.wait_indirect_dma semaphore(%arg12 : memref<!tpu.dma_semaphore, #tpu.memory_space<semaphore_mem>>) src(%dma_wait3A_376 : memref<10240x256xbf16, #tpu.memory_space<hbm>>) dst(%dma_wait3A_370 : memref<128x256xbf16, #tpu.memory_space<vmem>>)
      %run_scoped3A_377 = arith.constant 0 : i32
      %run_scoped3A_378 = arith.constant 12 : i32
      "tpu.region"() ({
        %run_scoped3A_445 = tpu.sem_alloc : memref<!tpu.dma_semaphore, #tpu.memory_space<semaphore_mem>>
        %dma_start3A_446 = arith.constant 0 : i32
        %dma_start3A_447 = arith.constant 0 : i32
        %dma_start3A_448 = tpu.memref_slice %arg10[%run_scoped3A_377, %dma_start3A_446, %dma_start3A_447] : memref<2x128x256xbf16, #tpu.memory_space<vmem>> -> memref<1x128x256xbf16, #tpu.memory_space<vmem>>
        %dma_start3A_449 = tpu.memref_squeeze %dma_start3A_448 : memref<1x128x256xbf16, #tpu.memory_space<vmem>> -> memref<128x256xbf16, #tpu.memory_space<vmem>>
        %dma_start3A_450 = arith.constant 0 : i32
        %dma_start3A_451 = tpu.memref_slice %arg9[%run_scoped3A_378, %dma_start3A_450] : memref<16x128xi32, #tpu.memory_space<vmem>> -> memref<1x128xi32, #tpu.memory_space<vmem>>
        %dma_start3A_452 = tpu.memref_squeeze %dma_start3A_451 : memref<1x128xi32, #tpu.memory_space<vmem>> -> memref<128xi32, #tpu.memory_space<vmem>>
        %dma_start3A_453 = arith.constant 0 : i32
        %dma_start3A_454 = arith.constant 0 : i32
        %dma_start3A_455 = tpu.memref_slice %arg11[%dma_start3A_453, %dma_start3A_454] : memref<10240x256xbf16, #tpu.memory_space<vmem_shared>> -> memref<10240x256xbf16, #tpu.memory_space<vmem_shared>>
        tpu.enqueue_indirect_dma source(%dma_start3A_449 : memref<128x256xbf16, #tpu.memory_space<vmem>>) target(%dma_start3A_455 : memref<10240x256xbf16, #tpu.memory_space<vmem_shared>>) offsets(%dma_start3A_452 : memref<128xi32, #tpu.memory_space<vmem>>) semaphore(%run_scoped3A_445 : memref<!tpu.dma_semaphore, #tpu.memory_space<semaphore_mem>>) {add = true}
        %dma_wait3A_456 = arith.constant 0 : i32
        %dma_wait3A_457 = arith.constant 0 : i32
        %dma_wait3A_458 = tpu.memref_slice %arg10[%run_scoped3A_377, %dma_wait3A_456, %dma_wait3A_457] : memref<2x128x256xbf16, #tpu.memory_space<vmem>> -> memref<1x128x256xbf16, #tpu.memory_space<vmem>>
        %dma_wait3A_459 = tpu.memref_squeeze %dma_wait3A_458 : memref<1x128x256xbf16, #tpu.memory_space<vmem>> -> memref<128x256xbf16, #tpu.memory_space<vmem>>
        %dma_wait3A_460 = arith.constant 0 : i32
        %dma_wait3A_461 = tpu.memref_slice %arg9[%run_scoped3A_378, %dma_wait3A_460] : memref<16x128xi32, #tpu.memory_space<vmem>> -> memref<1x128xi32, #tpu.memory_space<vmem>>
        %dma_wait3A_462 = tpu.memref_squeeze %dma_wait3A_461 : memref<1x128xi32, #tpu.memory_space<vmem>> -> memref<128xi32, #tpu.memory_space<vmem>>
        %dma_wait3A_463 = arith.constant 0 : i32
        %dma_wait3A_464 = arith.constant 0 : i32
        %dma_wait3A_465 = tpu.memref_slice %arg11[%dma_wait3A_463, %dma_wait3A_464] : memref<10240x256xbf16, #tpu.memory_space<vmem_shared>> -> memref<10240x256xbf16, #tpu.memory_space<vmem_shared>>
        tpu.wait_indirect_dma semaphore(%run_scoped3A_445 : memref<!tpu.dma_semaphore, #tpu.memory_space<semaphore_mem>>) src(%dma_wait3A_459 : memref<128x256xbf16, #tpu.memory_space<vmem>>) dst(%dma_wait3A_465 : memref<10240x256xbf16, #tpu.memory_space<vmem_shared>>)
        tpu.yield
      }) : () -> ()
      %dma_start3A_379 = arith.constant 14 : i32
      %dma_start3A_380 = arith.constant 0 : i32
      %dma_start3A_381 = arith.constant 0 : i32
      %dma_start3A_382 = arith.constant 0 : i32
      %dma_start3A_383 = tpu.memref_slice %arg10[%dma_start3A_380, %dma_start3A_381, %dma_start3A_382] : memref<2x128x256xbf16, #tpu.memory_space<vmem>> -> memref<1x128x256xbf16, #tpu.memory_space<vmem>>
      %dma_start3A_384 = tpu.memref_squeeze %dma_start3A_383 : memref<1x128x256xbf16, #tpu.memory_space<vmem>> -> memref<128x256xbf16, #tpu.memory_space<vmem>>
      %dma_start3A_385 = arith.constant 0 : i32
      %dma_start3A_386 = tpu.memref_slice %arg8[%dma_start3A_379, %dma_start3A_385] : memref<16x128xi32, #tpu.memory_space<vmem>> -> memref<1x128xi32, #tpu.memory_space<vmem>>
      %dma_start3A_387 = tpu.memref_squeeze %dma_start3A_386 : memref<1x128xi32, #tpu.memory_space<vmem>> -> memref<128xi32, #tpu.memory_space<vmem>>
      %dma_start3A_388 = arith.constant 0 : i32
      %dma_start3A_389 = arith.constant 0 : i32
      %dma_start3A_390 = tpu.memref_slice %arg2[%dma_start3A_388, %dma_start3A_389] : memref<10240x256xbf16, #tpu.memory_space<hbm>> -> memref<10240x256xbf16, #tpu.memory_space<hbm>>
      tpu.enqueue_indirect_dma source(%dma_start3A_390 : memref<10240x256xbf16, #tpu.memory_space<hbm>>) target(%dma_start3A_384 : memref<128x256xbf16, #tpu.memory_space<vmem>>) offsets(%dma_start3A_387 : memref<128xi32, #tpu.memory_space<vmem>>) semaphore(%arg12 : memref<!tpu.dma_semaphore, #tpu.memory_space<semaphore_mem>>)
      %dma_wait3A_391 = arith.constant 13 : i32
      %dma_wait3A_392 = arith.constant 1 : i32
      %dma_wait3A_393 = arith.constant 0 : i32
      %dma_wait3A_394 = arith.constant 0 : i32
      %dma_wait3A_395 = tpu.memref_slice %arg10[%dma_wait3A_392, %dma_wait3A_393, %dma_wait3A_394] : memref<2x128x256xbf16, #tpu.memory_space<vmem>> -> memref<1x128x256xbf16, #tpu.memory_space<vmem>>
      %dma_wait3A_396 = tpu.memref_squeeze %dma_wait3A_395 : memref<1x128x256xbf16, #tpu.memory_space<vmem>> -> memref<128x256xbf16, #tpu.memory_space<vmem>>
      %dma_wait3A_397 = arith.constant 0 : i32
      %dma_wait3A_398 = tpu.memref_slice %arg8[%dma_wait3A_391, %dma_wait3A_397] : memref<16x128xi32, #tpu.memory_space<vmem>> -> memref<1x128xi32, #tpu.memory_space<vmem>>
      %dma_wait3A_399 = tpu.memref_squeeze %dma_wait3A_398 : memref<1x128xi32, #tpu.memory_space<vmem>> -> memref<128xi32, #tpu.memory_space<vmem>>
      %dma_wait3A_400 = arith.constant 0 : i32
      %dma_wait3A_401 = arith.constant 0 : i32
      %dma_wait3A_402 = tpu.memref_slice %arg2[%dma_wait3A_400, %dma_wait3A_401] : memref<10240x256xbf16, #tpu.memory_space<hbm>> -> memref<10240x256xbf16, #tpu.memory_space<hbm>>
      tpu.wait_indirect_dma semaphore(%arg13 : memref<!tpu.dma_semaphore, #tpu.memory_space<semaphore_mem>>) src(%dma_wait3A_402 : memref<10240x256xbf16, #tpu.memory_space<hbm>>) dst(%dma_wait3A_396 : memref<128x256xbf16, #tpu.memory_space<vmem>>)
      %run_scoped3A_403 = arith.constant 1 : i32
      %run_scoped3A_404 = arith.constant 13 : i32
      "tpu.region"() ({
        %run_scoped3A_445 = tpu.sem_alloc : memref<!tpu.dma_semaphore, #tpu.memory_space<semaphore_mem>>
        %dma_start3A_446 = arith.constant 0 : i32
        %dma_start3A_447 = arith.constant 0 : i32
        %dma_start3A_448 = tpu.memref_slice %arg10[%run_scoped3A_403, %dma_start3A_446, %dma_start3A_447] : memref<2x128x256xbf16, #tpu.memory_space<vmem>> -> memref<1x128x256xbf16, #tpu.memory_space<vmem>>
        %dma_start3A_449 = tpu.memref_squeeze %dma_start3A_448 : memref<1x128x256xbf16, #tpu.memory_space<vmem>> -> memref<128x256xbf16, #tpu.memory_space<vmem>>
        %dma_start3A_450 = arith.constant 0 : i32
        %dma_start3A_451 = tpu.memref_slice %arg9[%run_scoped3A_404, %dma_start3A_450] : memref<16x128xi32, #tpu.memory_space<vmem>> -> memref<1x128xi32, #tpu.memory_space<vmem>>
        %dma_start3A_452 = tpu.memref_squeeze %dma_start3A_451 : memref<1x128xi32, #tpu.memory_space<vmem>> -> memref<128xi32, #tpu.memory_space<vmem>>
        %dma_start3A_453 = arith.constant 0 : i32
        %dma_start3A_454 = arith.constant 0 : i32
        %dma_start3A_455 = tpu.memref_slice %arg11[%dma_start3A_453, %dma_start3A_454] : memref<10240x256xbf16, #tpu.memory_space<vmem_shared>> -> memref<10240x256xbf16, #tpu.memory_space<vmem_shared>>
        tpu.enqueue_indirect_dma source(%dma_start3A_449 : memref<128x256xbf16, #tpu.memory_space<vmem>>) target(%dma_start3A_455 : memref<10240x256xbf16, #tpu.memory_space<vmem_shared>>) offsets(%dma_start3A_452 : memref<128xi32, #tpu.memory_space<vmem>>) semaphore(%run_scoped3A_445 : memref<!tpu.dma_semaphore, #tpu.memory_space<semaphore_mem>>) {add = true}
        %dma_wait3A_456 = arith.constant 0 : i32
        %dma_wait3A_457 = arith.constant 0 : i32
        %dma_wait3A_458 = tpu.memref_slice %arg10[%run_scoped3A_403, %dma_wait3A_456, %dma_wait3A_457] : memref<2x128x256xbf16, #tpu.memory_space<vmem>> -> memref<1x128x256xbf16, #tpu.memory_space<vmem>>
        %dma_wait3A_459 = tpu.memref_squeeze %dma_wait3A_458 : memref<1x128x256xbf16, #tpu.memory_space<vmem>> -> memref<128x256xbf16, #tpu.memory_space<vmem>>
        %dma_wait3A_460 = arith.constant 0 : i32
        %dma_wait3A_461 = tpu.memref_slice %arg9[%run_scoped3A_404, %dma_wait3A_460] : memref<16x128xi32, #tpu.memory_space<vmem>> -> memref<1x128xi32, #tpu.memory_space<vmem>>
        %dma_wait3A_462 = tpu.memref_squeeze %dma_wait3A_461 : memref<1x128xi32, #tpu.memory_space<vmem>> -> memref<128xi32, #tpu.memory_space<vmem>>
        %dma_wait3A_463 = arith.constant 0 : i32
        %dma_wait3A_464 = arith.constant 0 : i32
        %dma_wait3A_465 = tpu.memref_slice %arg11[%dma_wait3A_463, %dma_wait3A_464] : memref<10240x256xbf16, #tpu.memory_space<vmem_shared>> -> memref<10240x256xbf16, #tpu.memory_space<vmem_shared>>
        tpu.wait_indirect_dma semaphore(%run_scoped3A_445 : memref<!tpu.dma_semaphore, #tpu.memory_space<semaphore_mem>>) src(%dma_wait3A_459 : memref<128x256xbf16, #tpu.memory_space<vmem>>) dst(%dma_wait3A_465 : memref<10240x256xbf16, #tpu.memory_space<vmem_shared>>)
        tpu.yield
      }) : () -> ()
      %dma_start3A_405 = arith.constant 15 : i32
      %dma_start3A_406 = arith.constant 1 : i32
      %dma_start3A_407 = arith.constant 0 : i32
      %dma_start3A_408 = arith.constant 0 : i32
      %dma_start3A_409 = tpu.memref_slice %arg10[%dma_start3A_406, %dma_start3A_407, %dma_start3A_408] : memref<2x128x256xbf16, #tpu.memory_space<vmem>> -> memref<1x128x256xbf16, #tpu.memory_space<vmem>>
      %dma_start3A_410 = tpu.memref_squeeze %dma_start3A_409 : memref<1x128x256xbf16, #tpu.memory_space<vmem>> -> memref<128x256xbf16, #tpu.memory_space<vmem>>
      %dma_start3A_411 = arith.constant 0 : i32
      %dma_start3A_412 = tpu.memref_slice %arg8[%dma_start3A_405, %dma_start3A_411] : memref<16x128xi32, #tpu.memory_space<vmem>> -> memref<1x128xi32, #tpu.memory_space<vmem>>
      %dma_start3A_413 = tpu.memref_squeeze %dma_start3A_412 : memref<1x128xi32, #tpu.memory_space<vmem>> -> memref<128xi32, #tpu.memory_space<vmem>>
      %dma_start3A_414 = arith.constant 0 : i32
      %dma_start3A_415 = arith.constant 0 : i32
      %dma_start3A_416 = tpu.memref_slice %arg2[%dma_start3A_414, %dma_start3A_415] : memref<10240x256xbf16, #tpu.memory_space<hbm>> -> memref<10240x256xbf16, #tpu.memory_space<hbm>>
      tpu.enqueue_indirect_dma source(%dma_start3A_416 : memref<10240x256xbf16, #tpu.memory_space<hbm>>) target(%dma_start3A_410 : memref<128x256xbf16, #tpu.memory_space<vmem>>) offsets(%dma_start3A_413 : memref<128xi32, #tpu.memory_space<vmem>>) semaphore(%arg13 : memref<!tpu.dma_semaphore, #tpu.memory_space<semaphore_mem>>)
      %dma_wait3A_417 = arith.constant 14 : i32
      %dma_wait3A_418 = arith.constant 0 : i32
      %dma_wait3A_419 = arith.constant 0 : i32
      %dma_wait3A_420 = arith.constant 0 : i32
      %dma_wait3A_421 = tpu.memref_slice %arg10[%dma_wait3A_418, %dma_wait3A_419, %dma_wait3A_420] : memref<2x128x256xbf16, #tpu.memory_space<vmem>> -> memref<1x128x256xbf16, #tpu.memory_space<vmem>>
      %dma_wait3A_422 = tpu.memref_squeeze %dma_wait3A_421 : memref<1x128x256xbf16, #tpu.memory_space<vmem>> -> memref<128x256xbf16, #tpu.memory_space<vmem>>
      %dma_wait3A_423 = arith.constant 0 : i32
      %dma_wait3A_424 = tpu.memref_slice %arg8[%dma_wait3A_417, %dma_wait3A_423] : memref<16x128xi32, #tpu.memory_space<vmem>> -> memref<1x128xi32, #tpu.memory_space<vmem>>
      %dma_wait3A_425 = tpu.memref_squeeze %dma_wait3A_424 : memref<1x128xi32, #tpu.memory_space<vmem>> -> memref<128xi32, #tpu.memory_space<vmem>>
      %dma_wait3A_426 = arith.constant 0 : i32
      %dma_wait3A_427 = arith.constant 0 : i32
      %dma_wait3A_428 = tpu.memref_slice %arg2[%dma_wait3A_426, %dma_wait3A_427] : memref<10240x256xbf16, #tpu.memory_space<hbm>> -> memref<10240x256xbf16, #tpu.memory_space<hbm>>
      tpu.wait_indirect_dma semaphore(%arg12 : memref<!tpu.dma_semaphore, #tpu.memory_space<semaphore_mem>>) src(%dma_wait3A_428 : memref<10240x256xbf16, #tpu.memory_space<hbm>>) dst(%dma_wait3A_422 : memref<128x256xbf16, #tpu.memory_space<vmem>>)
      %run_scoped3A_429 = arith.constant 0 : i32
      %run_scoped3A_430 = arith.constant 14 : i32
      "tpu.region"() ({
        %run_scoped3A_445 = tpu.sem_alloc : memref<!tpu.dma_semaphore, #tpu.memory_space<semaphore_mem>>
        %dma_start3A_446 = arith.constant 0 : i32
        %dma_start3A_447 = arith.constant 0 : i32
        %dma_start3A_448 = tpu.memref_slice %arg10[%run_scoped3A_429, %dma_start3A_446, %dma_start3A_447] : memref<2x128x256xbf16, #tpu.memory_space<vmem>> -> memref<1x128x256xbf16, #tpu.memory_space<vmem>>
        %dma_start3A_449 = tpu.memref_squeeze %dma_start3A_448 : memref<1x128x256xbf16, #tpu.memory_space<vmem>> -> memref<128x256xbf16, #tpu.memory_space<vmem>>
        %dma_start3A_450 = arith.constant 0 : i32
        %dma_start3A_451 = tpu.memref_slice %arg9[%run_scoped3A_430, %dma_start3A_450] : memref<16x128xi32, #tpu.memory_space<vmem>> -> memref<1x128xi32, #tpu.memory_space<vmem>>
        %dma_start3A_452 = tpu.memref_squeeze %dma_start3A_451 : memref<1x128xi32, #tpu.memory_space<vmem>> -> memref<128xi32, #tpu.memory_space<vmem>>
        %dma_start3A_453 = arith.constant 0 : i32
        %dma_start3A_454 = arith.constant 0 : i32
        %dma_start3A_455 = tpu.memref_slice %arg11[%dma_start3A_453, %dma_start3A_454] : memref<10240x256xbf16, #tpu.memory_space<vmem_shared>> -> memref<10240x256xbf16, #tpu.memory_space<vmem_shared>>
        tpu.enqueue_indirect_dma source(%dma_start3A_449 : memref<128x256xbf16, #tpu.memory_space<vmem>>) target(%dma_start3A_455 : memref<10240x256xbf16, #tpu.memory_space<vmem_shared>>) offsets(%dma_start3A_452 : memref<128xi32, #tpu.memory_space<vmem>>) semaphore(%run_scoped3A_445 : memref<!tpu.dma_semaphore, #tpu.memory_space<semaphore_mem>>) {add = true}
        %dma_wait3A_456 = arith.constant 0 : i32
        %dma_wait3A_457 = arith.constant 0 : i32
        %dma_wait3A_458 = tpu.memref_slice %arg10[%run_scoped3A_429, %dma_wait3A_456, %dma_wait3A_457] : memref<2x128x256xbf16, #tpu.memory_space<vmem>> -> memref<1x128x256xbf16, #tpu.memory_space<vmem>>
        %dma_wait3A_459 = tpu.memref_squeeze %dma_wait3A_458 : memref<1x128x256xbf16, #tpu.memory_space<vmem>> -> memref<128x256xbf16, #tpu.memory_space<vmem>>
        %dma_wait3A_460 = arith.constant 0 : i32
        %dma_wait3A_461 = tpu.memref_slice %arg9[%run_scoped3A_430, %dma_wait3A_460] : memref<16x128xi32, #tpu.memory_space<vmem>> -> memref<1x128xi32, #tpu.memory_space<vmem>>
        %dma_wait3A_462 = tpu.memref_squeeze %dma_wait3A_461 : memref<1x128xi32, #tpu.memory_space<vmem>> -> memref<128xi32, #tpu.memory_space<vmem>>
        %dma_wait3A_463 = arith.constant 0 : i32
        %dma_wait3A_464 = arith.constant 0 : i32
        %dma_wait3A_465 = tpu.memref_slice %arg11[%dma_wait3A_463, %dma_wait3A_464] : memref<10240x256xbf16, #tpu.memory_space<vmem_shared>> -> memref<10240x256xbf16, #tpu.memory_space<vmem_shared>>
        tpu.wait_indirect_dma semaphore(%run_scoped3A_445 : memref<!tpu.dma_semaphore, #tpu.memory_space<semaphore_mem>>) src(%dma_wait3A_459 : memref<128x256xbf16, #tpu.memory_space<vmem>>) dst(%dma_wait3A_465 : memref<10240x256xbf16, #tpu.memory_space<vmem_shared>>)
        tpu.yield
      }) : () -> ()
      %dma_wait3A_431 = arith.constant 15 : i32
      %dma_wait3A_432 = arith.constant 1 : i32
      %dma_wait3A_433 = arith.constant 0 : i32
      %dma_wait3A_434 = arith.constant 0 : i32
      %dma_wait3A_435 = tpu.memref_slice %arg10[%dma_wait3A_432, %dma_wait3A_433, %dma_wait3A_434] : memref<2x128x256xbf16, #tpu.memory_space<vmem>> -> memref<1x128x256xbf16, #tpu.memory_space<vmem>>
      %dma_wait3A_436 = tpu.memref_squeeze %dma_wait3A_435 : memref<1x128x256xbf16, #tpu.memory_space<vmem>> -> memref<128x256xbf16, #tpu.memory_space<vmem>>
      %dma_wait3A_437 = arith.constant 0 : i32
      %dma_wait3A_438 = tpu.memref_slice %arg8[%dma_wait3A_431, %dma_wait3A_437] : memref<16x128xi32, #tpu.memory_space<vmem>> -> memref<1x128xi32, #tpu.memory_space<vmem>>
      %dma_wait3A_439 = tpu.memref_squeeze %dma_wait3A_438 : memref<1x128xi32, #tpu.memory_space<vmem>> -> memref<128xi32, #tpu.memory_space<vmem>>
      %dma_wait3A_440 = arith.constant 0 : i32
      %dma_wait3A_441 = arith.constant 0 : i32
      %dma_wait3A_442 = tpu.memref_slice %arg2[%dma_wait3A_440, %dma_wait3A_441] : memref<10240x256xbf16, #tpu.memory_space<hbm>> -> memref<10240x256xbf16, #tpu.memory_space<hbm>>
      tpu.wait_indirect_dma semaphore(%arg13 : memref<!tpu.dma_semaphore, #tpu.memory_space<semaphore_mem>>) src(%dma_wait3A_442 : memref<10240x256xbf16, #tpu.memory_space<hbm>>) dst(%dma_wait3A_436 : memref<128x256xbf16, #tpu.memory_space<vmem>>)
      %run_scoped3A_443 = arith.constant 1 : i32
      %run_scoped3A_444 = arith.constant 15 : i32
      "tpu.region"() ({
        %run_scoped3A_445 = tpu.sem_alloc : memref<!tpu.dma_semaphore, #tpu.memory_space<semaphore_mem>>
        %dma_start3A_446 = arith.constant 0 : i32
        %dma_start3A_447 = arith.constant 0 : i32
        %dma_start3A_448 = tpu.memref_slice %arg10[%run_scoped3A_443, %dma_start3A_446, %dma_start3A_447] : memref<2x128x256xbf16, #tpu.memory_space<vmem>> -> memref<1x128x256xbf16, #tpu.memory_space<vmem>>
        %dma_start3A_449 = tpu.memref_squeeze %dma_start3A_448 : memref<1x128x256xbf16, #tpu.memory_space<vmem>> -> memref<128x256xbf16, #tpu.memory_space<vmem>>
        %dma_start3A_450 = arith.constant 0 : i32
        %dma_start3A_451 = tpu.memref_slice %arg9[%run_scoped3A_444, %dma_start3A_450] : memref<16x128xi32, #tpu.memory_space<vmem>> -> memref<1x128xi32, #tpu.memory_space<vmem>>
        %dma_start3A_452 = tpu.memref_squeeze %dma_start3A_451 : memref<1x128xi32, #tpu.memory_space<vmem>> -> memref<128xi32, #tpu.memory_space<vmem>>
        %dma_start3A_453 = arith.constant 0 : i32
        %dma_start3A_454 = arith.constant 0 : i32
        %dma_start3A_455 = tpu.memref_slice %arg11[%dma_start3A_453, %dma_start3A_454] : memref<10240x256xbf16, #tpu.memory_space<vmem_shared>> -> memref<10240x256xbf16, #tpu.memory_space<vmem_shared>>
        tpu.enqueue_indirect_dma source(%dma_start3A_449 : memref<128x256xbf16, #tpu.memory_space<vmem>>) target(%dma_start3A_455 : memref<10240x256xbf16, #tpu.memory_space<vmem_shared>>) offsets(%dma_start3A_452 : memref<128xi32, #tpu.memory_space<vmem>>) semaphore(%run_scoped3A_445 : memref<!tpu.dma_semaphore, #tpu.memory_space<semaphore_mem>>) {add = true}
        %dma_wait3A_456 = arith.constant 0 : i32
        %dma_wait3A_457 = arith.constant 0 : i32
        %dma_wait3A_458 = tpu.memref_slice %arg10[%run_scoped3A_443, %dma_wait3A_456, %dma_wait3A_457] : memref<2x128x256xbf16, #tpu.memory_space<vmem>> -> memref<1x128x256xbf16, #tpu.memory_space<vmem>>
        %dma_wait3A_459 = tpu.memref_squeeze %dma_wait3A_458 : memref<1x128x256xbf16, #tpu.memory_space<vmem>> -> memref<128x256xbf16, #tpu.memory_space<vmem>>
        %dma_wait3A_460 = arith.constant 0 : i32
        %dma_wait3A_461 = tpu.memref_slice %arg9[%run_scoped3A_444, %dma_wait3A_460] : memref<16x128xi32, #tpu.memory_space<vmem>> -> memref<1x128xi32, #tpu.memory_space<vmem>>
        %dma_wait3A_462 = tpu.memref_squeeze %dma_wait3A_461 : memref<1x128xi32, #tpu.memory_space<vmem>> -> memref<128xi32, #tpu.memory_space<vmem>>
        %dma_wait3A_463 = arith.constant 0 : i32
        %dma_wait3A_464 = arith.constant 0 : i32
        %dma_wait3A_465 = tpu.memref_slice %arg11[%dma_wait3A_463, %dma_wait3A_464] : memref<10240x256xbf16, #tpu.memory_space<vmem_shared>> -> memref<10240x256xbf16, #tpu.memory_space<vmem_shared>>
        tpu.wait_indirect_dma semaphore(%run_scoped3A_445 : memref<!tpu.dma_semaphore, #tpu.memory_space<semaphore_mem>>) src(%dma_wait3A_459 : memref<128x256xbf16, #tpu.memory_space<vmem>>) dst(%dma_wait3A_465 : memref<10240x256xbf16, #tpu.memory_space<vmem_shared>>)
        tpu.yield
      }) : () -> ()
    }
    %scan3A_12 = arith.constant 5 : i32
    %barrier3A_13 = arith.constant 0 : index
    tpu.barrier barrier_id(%barrier3A_13)
    %eq3A_14 = arith.constant 0 : i32
    %eq3A_15 = arith.cmpi eq, %arg0, %eq3A_14 : i32
    %convert_element_type3A_16 = arith.extui %eq3A_15 : i1 to i32
    %cond3A_17 = arith.constant 0 : i32
    %cond3A_18 = arith.cmpi ne, %convert_element_type3A_16, %cond3A_17 : i32
    scf.if %cond3A_18 {
      "tpu.region"() ({
        %run_scoped3A = tpu.sem_alloc : memref<!tpu.dma_semaphore, #tpu.memory_space<semaphore_mem>>
        %dma_start3A = arith.constant 0 : i32
        %dma_start3A_24 = tpu.memref_slice %arg6[%mul3A_0, %dma_start3A] : memref<10240x256xbf16, #tpu.memory_space<hbm>> -> memref<640x256xbf16, #tpu.memory_space<hbm>>
        %dma_start3A_25 = arith.constant 0 : i32
        %dma_start3A_26 = tpu.memref_slice %arg11[%mul3A_0, %dma_start3A_25] : memref<10240x256xbf16, #tpu.memory_space<vmem_shared>> -> memref<640x256xbf16, #tpu.memory_space<vmem_shared>>
        tpu.enqueue_dma source(%dma_start3A_26 : memref<640x256xbf16, #tpu.memory_space<vmem_shared>>) target(%dma_start3A_24 : memref<640x256xbf16, #tpu.memory_space<hbm>>) target_semaphore(%run_scoped3A : memref<!tpu.dma_semaphore, #tpu.memory_space<semaphore_mem>>)
        %dma_wait3A = arith.constant 0 : i32
        %dma_wait3A_27 = tpu.memref_slice %arg6[%mul3A_0, %dma_wait3A] : memref<10240x256xbf16, #tpu.memory_space<hbm>> -> memref<640x256xbf16, #tpu.memory_space<hbm>>
        %dma_wait3A_28 = arith.constant 0 : i32
        %dma_wait3A_29 = tpu.memref_slice %arg11[%mul3A_0, %dma_wait3A_28] : memref<10240x256xbf16, #tpu.memory_space<vmem_shared>> -> memref<640x256xbf16, #tpu.memory_space<vmem_shared>>
        tpu.wait_dma2 semaphore(%run_scoped3A : memref<!tpu.dma_semaphore, #tpu.memory_space<semaphore_mem>>) src(%dma_wait3A_29 : memref<640x256xbf16, #tpu.memory_space<vmem_shared>>) dst(%dma_wait3A_27 : memref<640x256xbf16, #tpu.memory_space<hbm>>)
        tpu.yield
      }) : () -> ()
    } else {
    }
    %eq3A_19 = arith.constant 1 : i32
    %eq3A_20 = arith.cmpi eq, %arg0, %eq3A_19 : i32
    %convert_element_type3A_21 = arith.extui %eq3A_20 : i1 to i32
    %cond3A_22 = arith.constant 0 : i32
    %cond3A_23 = arith.cmpi ne, %convert_element_type3A_21, %cond3A_22 : i32
    scf.if %cond3A_23 {
      "tpu.region"() ({
        %run_scoped3A = tpu.sem_alloc : memref<!tpu.dma_semaphore, #tpu.memory_space<semaphore_mem>>
        %dma_start3A = arith.constant 0 : i32
        %dma_start3A_24 = tpu.memref_slice %arg7[%mul3A_0, %dma_start3A] : memref<10240x256xbf16, #tpu.memory_space<hbm>> -> memref<640x256xbf16, #tpu.memory_space<hbm>>
        %dma_start3A_25 = arith.constant 0 : i32
        %dma_start3A_26 = tpu.memref_slice %arg11[%mul3A_0, %dma_start3A_25] : memref<10240x256xbf16, #tpu.memory_space<vmem_shared>> -> memref<640x256xbf16, #tpu.memory_space<vmem_shared>>
        tpu.enqueue_dma source(%dma_start3A_26 : memref<640x256xbf16, #tpu.memory_space<vmem_shared>>) target(%dma_start3A_24 : memref<640x256xbf16, #tpu.memory_space<hbm>>) target_semaphore(%run_scoped3A : memref<!tpu.dma_semaphore, #tpu.memory_space<semaphore_mem>>)
        %dma_wait3A = arith.constant 0 : i32
        %dma_wait3A_27 = tpu.memref_slice %arg7[%mul3A_0, %dma_wait3A] : memref<10240x256xbf16, #tpu.memory_space<hbm>> -> memref<640x256xbf16, #tpu.memory_space<hbm>>
        %dma_wait3A_28 = arith.constant 0 : i32
        %dma_wait3A_29 = tpu.memref_slice %arg11[%mul3A_0, %dma_wait3A_28] : memref<10240x256xbf16, #tpu.memory_space<vmem_shared>> -> memref<640x256xbf16, #tpu.memory_space<vmem_shared>>
        tpu.wait_dma2 semaphore(%run_scoped3A : memref<!tpu.dma_semaphore, #tpu.memory_space<semaphore_mem>>) src(%dma_wait3A_29 : memref<640x256xbf16, #tpu.memory_space<vmem_shared>>) dst(%dma_wait3A_27 : memref<640x256xbf16, #tpu.memory_space<hbm>>)
        tpu.yield
      }) : () -> ()
    } else {
    }
    return
  }
}

module attributes {stable_mosaic.version = 14 : i64} {
  func.func @_encode_body(%arg0: i32, %arg1: memref<2560x128xf32, #tpu.memory_space<vmem>>, %arg2: memref<128x256xf32, #tpu.memory_space<vmem>>, %arg3: memref<1x256xf32, #tpu.memory_space<vmem>>, %arg4: memref<2560x256xbf16, #tpu.memory_space<vmem>>) attributes {dimension_semantics = [#tpu.dimension_semantics<arbitrary>], iteration_bounds = array<i64: 4>, scalar_prefetch = 0 : i64, scratch_operands = 0 : i64, tpu.core_type = #tpu.core_type<tc>, window_params = [{transform_indices = @transform_0, window_bounds = array<i64: 2560, 128>}, {pipeline_mode = #tpu.pipeline_mode<synchronous>, transform_indices = @transform_1, window_bounds = array<i64: 128, 256>}, {pipeline_mode = #tpu.pipeline_mode<synchronous>, transform_indices = @transform_2, window_bounds = array<i64: 1, 256>}, {transform_indices = @transform_3, window_bounds = array<i64: 2560, 256>}]} {
    %get3A = arith.constant 0 : index
    %get3A_0 = arith.constant 0 : index
    %get3A_1 = vector.load %arg1[%get3A, %get3A_0] : memref<2560x128xf32, #tpu.memory_space<vmem>>, vector<2560x128xf32>
    %get3A_2 = arith.constant 0 : index
    %get3A_3 = arith.constant 0 : index
    %get3A_4 = vector.load %arg2[%get3A_2, %get3A_3] : memref<128x256xf32, #tpu.memory_space<vmem>>, vector<128x256xf32>
    %dot_general3A = arith.constant dense<0.000000e+00> : vector<2560x256xf32>
    %dot_general3A_5 = tpu.matmul %get3A_1, %get3A_4, %dot_general3A {dimension_numbers = #tpu.dot_dimension_numbers<[1], [0], [0], [1], [0, 0, 1, 1], [], []>, transpose_lhs_hint = false} : vector<2560x128xf32>, vector<128x256xf32>, vector<2560x256xf32> -> vector<2560x256xf32>
    %get3A_6 = arith.constant 0 : index
    %get3A_7 = arith.constant 0 : index
    %get3A_8 = vector.load %arg3[%get3A_6, %get3A_7] : memref<1x256xf32, #tpu.memory_space<vmem>>, vector<1x256xf32>
    %add3A = vector.broadcast %get3A_8 : vector<1x256xf32> to vector<2560x256xf32>
    %add3A_9 = arith.addf %dot_general3A_5, %add3A : vector<2560x256xf32>
    %tanh3A = math.tanh %add3A_9 : vector<2560x256xf32>
    %convert_element_type3A = arith.truncf %tanh3A : vector<2560x256xf32> to vector<2560x256xbf16>
    %swap3A = arith.constant 0 : index
    %swap3A_10 = arith.constant 0 : index
    %swap3A_11 = vector.load %arg4[%swap3A, %swap3A_10] : memref<2560x256xbf16, #tpu.memory_space<vmem>>, vector<2560x256xbf16>
    tpu.vector_store %arg4[%swap3A, %swap3A_10], %convert_element_type3A {strides = array<i32>} : memref<2560x256xbf16, #tpu.memory_space<vmem>>, vector<2560x256xbf16>,
    return
  }
  func.func @transform_0(%arg0: i32) -> (i32, i32) {
    %c0_i32 = arith.constant 0 : i32
    %c0_i32_0 = arith.constant 0 : i32
    return %arg0, %c0_i32 : i32, i32
  }
  func.func @transform_1(%arg0: i32) -> (i32, i32) {
    %c0_i32 = arith.constant 0 : i32
    %c0_i32_0 = arith.constant 0 : i32
    %c0_i32_1 = arith.constant 0 : i32
    return %c0_i32, %c0_i32_0 : i32, i32
  }
  func.func @transform_2(%arg0: i32) -> (i32, i32) {
    %c0_i32 = arith.constant 0 : i32
    %c0_i32_0 = arith.constant 0 : i32
    %c0_i32_1 = arith.constant 0 : i32
    return %c0_i32, %c0_i32_0 : i32, i32
  }
  func.func @transform_3(%arg0: i32) -> (i32, i32) {
    %c0_i32 = arith.constant 0 : i32
    %c0_i32_0 = arith.constant 0 : i32
    return %arg0, %c0_i32 : i32, i32
  }
}

module attributes {stable_mosaic.version = 14 : i64} {
  func.func @_obs_body(%arg0: memref<1024x512xf32, #tpu.memory_space<vmem>>, %arg1: memref<512x256xf32, #tpu.memory_space<vmem>>, %arg2: memref<1x256xf32, #tpu.memory_space<vmem>>, %arg3: memref<1024x256xf32, #tpu.memory_space<vmem>>) attributes {dimension_semantics = [], scalar_prefetch = 0 : i64, scratch_operands = 0 : i64, tpu.core_type = #tpu.core_type<tc>} {
    %get3A = arith.constant 0 : index
    %get3A_0 = arith.constant 0 : index
    %get3A_1 = vector.load %arg0[%get3A, %get3A_0] : memref<1024x512xf32, #tpu.memory_space<vmem>>, vector<1024x512xf32>
    %get3A_2 = arith.constant 0 : index
    %get3A_3 = arith.constant 0 : index
    %get3A_4 = vector.load %arg1[%get3A_2, %get3A_3] : memref<512x256xf32, #tpu.memory_space<vmem>>, vector<512x256xf32>
    %dot_general3A = arith.constant dense<0.000000e+00> : vector<1024x256xf32>
    %dot_general3A_5 = tpu.matmul %get3A_1, %get3A_4, %dot_general3A {dimension_numbers = #tpu.dot_dimension_numbers<[1], [0], [0], [1], [0, 0, 1, 1], [], []>, transpose_lhs_hint = false} : vector<1024x512xf32>, vector<512x256xf32>, vector<1024x256xf32> -> vector<1024x256xf32>
    %get3A_6 = arith.constant 0 : index
    %get3A_7 = arith.constant 0 : index
    %get3A_8 = vector.load %arg2[%get3A_6, %get3A_7] : memref<1x256xf32, #tpu.memory_space<vmem>>, vector<1x256xf32>
    %add3A = vector.broadcast %get3A_8 : vector<1x256xf32> to vector<1024x256xf32>
    %add3A_9 = arith.addf %dot_general3A_5, %add3A : vector<1024x256xf32>
    %tanh3A = math.tanh %add3A_9 : vector<1024x256xf32>
    %swap3A = arith.constant 0 : index
    %swap3A_10 = arith.constant 0 : index
    %swap3A_11 = vector.load %arg3[%swap3A, %swap3A_10] : memref<1024x256xf32, #tpu.memory_space<vmem>>, vector<1024x256xf32>
    tpu.vector_store %arg3[%swap3A, %swap3A_10], %tanh3A {strides = array<i32>} : memref<1024x256xf32, #tpu.memory_space<vmem>>, vector<1024x256xf32>,
    return
  }
}

module attributes {stable_mosaic.version = 14 : i64} {
  func.func @_pool_body(%arg0: memref<10240x256xbf16, #tpu.memory_space<vmem>>, %arg1: memref<10240x256xbf16, #tpu.memory_space<vmem>>, %arg2: memref<256x1xf32, #tpu.memory_space<vmem>>, %arg3: memref<1x1xf32, #tpu.memory_space<vmem>>, %arg4: memref<10000xf32, #tpu.memory_space<vmem>>, %arg5: memref<1x256xf32, #tpu.memory_space<vmem>>) attributes {dimension_semantics = [], scalar_prefetch = 0 : i64, scratch_operands = 0 : i64, tpu.core_type = #tpu.core_type<tc>} {
    %get3A = arith.constant 0 : index
    %get3A_0 = arith.constant 0 : index
    %get3A_1 = vector.load %arg0[%get3A, %get3A_0] : memref<10240x256xbf16, #tpu.memory_space<vmem>>, vector<10000x128xbf16>
    %convert_element_type3A = arith.extf %get3A_1 : vector<10000x128xbf16> to vector<10000x128xf32>
    %get3A_2 = arith.constant 0 : index
    %get3A_3 = arith.constant 0 : index
    %get3A_4 = vector.load %arg1[%get3A_2, %get3A_3] : memref<10240x256xbf16, #tpu.memory_space<vmem>>, vector<10000x128xbf16>
    %convert_element_type3A_5 = arith.extf %get3A_4 : vector<10000x128xbf16> to vector<10000x128xf32>
    %add3A = arith.addf %convert_element_type3A, %convert_element_type3A_5 : vector<10000x128xf32>
    %get3A_6 = arith.constant 0 : index
    %get3A_7 = arith.constant 128 : index
    %get3A_8 = vector.load %arg0[%get3A_6, %get3A_7] : memref<10240x256xbf16, #tpu.memory_space<vmem>>, vector<10000x128xbf16>
    %convert_element_type3A_9 = arith.extf %get3A_8 : vector<10000x128xbf16> to vector<10000x128xf32>
    %get3A_10 = arith.constant 0 : index
    %get3A_11 = arith.constant 128 : index
    %get3A_12 = vector.load %arg1[%get3A_10, %get3A_11] : memref<10240x256xbf16, #tpu.memory_space<vmem>>, vector<10000x128xbf16>
    %convert_element_type3A_13 = arith.extf %get3A_12 : vector<10000x128xbf16> to vector<10000x128xf32>
    %add3A_14 = arith.addf %convert_element_type3A_9, %convert_element_type3A_13 : vector<10000x128xf32>
    %tanh3A = math.tanh %add3A : vector<10000x128xf32>
    %get3A_15 = arith.constant 0 : index
    %get3A_16 = arith.constant 0 : index
    %get3A_17 = vector.load %arg2[%get3A_15, %get3A_16] : memref<256x1xf32, #tpu.memory_space<vmem>>, vector<128x1xf32>
    %dot_general3A = arith.constant dense<0.000000e+00> : vector<10000x1xf32>
    %dot_general3A_18 = tpu.matmul %tanh3A, %get3A_17, %dot_general3A {dimension_numbers = #tpu.dot_dimension_numbers<[1], [0], [0], [1], [0, 0, 1, 1], [], []>, transpose_lhs_hint = false} : vector<10000x128xf32>, vector<128x1xf32>, vector<10000x1xf32> -> vector<10000x1xf32>
    %tanh3A_19 = math.tanh %add3A_14 : vector<10000x128xf32>
    %get3A_20 = arith.constant 128 : index
    %get3A_21 = arith.constant 0 : index
    %get3A_22 = vector.load %arg2[%get3A_20, %get3A_21] : memref<256x1xf32, #tpu.memory_space<vmem>>, vector<128x1xf32>
    %dot_general3A_23 = arith.constant dense<0.000000e+00> : vector<10000x1xf32>
    %dot_general3A_24 = tpu.matmul %tanh3A_19, %get3A_22, %dot_general3A_23 {dimension_numbers = #tpu.dot_dimension_numbers<[1], [0], [0], [1], [0, 0, 1, 1], [], []>, transpose_lhs_hint = false} : vector<10000x128xf32>, vector<128x1xf32>, vector<10000x1xf32> -> vector<10000x1xf32>
    %add3A_25 = arith.addf %dot_general3A_18, %dot_general3A_24 : vector<10000x1xf32>
    %get3A_26 = arith.constant 0 : index
    %get3A_27 = arith.constant 0 : index
    %get3A_28 = vector.load %arg3[%get3A_26, %get3A_27] : memref<1x1xf32, #tpu.memory_space<vmem>>, vector<1x1xf32>
    %add3A_29 = vector.broadcast %get3A_28 : vector<1x1xf32> to vector<10000x1xf32>
    %add3A_30 = arith.addf %add3A_25, %add3A_29 : vector<10000x1xf32>
    %reduce_max3A = vector.shape_cast %add3A_30 : vector<10000x1xf32> to vector<1x10000x1xf32>
    %reduce_max3A_31 = arith.constant dense<0xFF800000> : vector<1xf32>
    %reduce_max3A_32 = vector.multi_reduction <maximumf>, %reduce_max3A, %reduce_max3A_31 [1, 2] : vector<1x10000x1xf32> to vector<1xf32>
    %reduce_max3A_33 = vector.shape_cast %reduce_max3A_32 : vector<1xf32> to vector<1x1x1xf32>
    %reduce_max3A_34 = vector.extract %reduce_max3A_33[0, 0, 0] : f32 from vector<1x1x1xf32>
    %sub3A = vector.broadcast %reduce_max3A_34 : f32 to vector<10000x1xf32>
    %sub3A_35 = arith.subf %add3A_30, %sub3A : vector<10000x1xf32>
    %exp3A = math.exp %sub3A_35 : vector<10000x1xf32>
    %reduce_sum3A = vector.shape_cast %exp3A : vector<10000x1xf32> to vector<1x10000x1xf32>
    %reduce_sum3A_36 = arith.constant dense<0.000000e+00> : vector<1xf32>
    %reduce_sum3A_37 = vector.multi_reduction <add>, %reduce_sum3A, %reduce_sum3A_36 [1, 2] : vector<1x10000x1xf32> to vector<1xf32>
    %reduce_sum3A_38 = vector.shape_cast %reduce_sum3A_37 : vector<1xf32> to vector<1x1x1xf32>
    %reduce_sum3A_39 = vector.extract %reduce_sum3A_38[0, 0, 0] : f32 from vector<1x1x1xf32>
    %div3A = vector.broadcast %reduce_sum3A_39 : f32 to vector<10000x1xf32>
    %div3A_40 = arith.divf %exp3A, %div3A : vector<10000x1xf32>
    %squeeze3A = vector.shape_cast %div3A_40 : vector<10000x1xf32> to vector<10000xf32>
    %swap3A = arith.constant 0 : index
    %swap3A_41 = vector.load %arg4[%swap3A] : memref<10000xf32, #tpu.memory_space<vmem>>, vector<10000xf32>
    tpu.vector_store %arg4[%swap3A], %squeeze3A {strides = array<i32>} : memref<10000xf32, #tpu.memory_space<vmem>>, vector<10000xf32>,
    %dot_general3A_42 = arith.constant dense<0.000000e+00> : vector<1x128xf32>
    %dot_general3A_43 = tpu.matmul %div3A_40, %add3A, %dot_general3A_42 {dimension_numbers = #tpu.dot_dimension_numbers<[0], [0], [1], [1], [0, 1, 1, 1], [], []>, transpose_lhs_hint = false} : vector<10000x1xf32>, vector<10000x128xf32>, vector<1x128xf32> -> vector<1x128xf32>
    %dot_general3A_44 = arith.constant dense<0.000000e+00> : vector<1x128xf32>
    %dot_general3A_45 = tpu.matmul %div3A_40, %add3A_14, %dot_general3A_44 {dimension_numbers = #tpu.dot_dimension_numbers<[0], [0], [1], [1], [0, 1, 1, 1], [], []>, transpose_lhs_hint = false} : vector<10000x1xf32>, vector<10000x128xf32>, vector<1x128xf32> -> vector<1x128xf32>
    %concatenate3A = tpu.concatenate %dot_general3A_43, %dot_general3A_45 in 1 : vector<1x128xf32>, vector<1x128xf32> -> vector<1x256xf32>
    %swap3A_46 = arith.constant 0 : index
    %swap3A_47 = arith.constant 0 : index
    %swap3A_48 = vector.load %arg5[%swap3A_46, %swap3A_47] : memref<1x256xf32, #tpu.memory_space<vmem>>, vector<1x256xf32>
    tpu.vector_store %arg5[%swap3A_46, %swap3A_47], %concatenate3A {strides = array<i32>} : memref<1x256xf32, #tpu.memory_space<vmem>>, vector<1x256xf32>,
    return
  }
}

module attributes {stable_mosaic.version = 14 : i64} {
  func.func @_state_body(%arg0: memref<1024x256xf32, #tpu.memory_space<vmem>>, %arg1: memref<1x256xf32, #tpu.memory_space<vmem>>, %arg2: memref<512x256xf32, #tpu.memory_space<vmem>>, %arg3: memref<1x256xf32, #tpu.memory_space<vmem>>, %arg4: memref<1024x256xf32, #tpu.memory_space<vmem>>) attributes {dimension_semantics = [], scalar_prefetch = 0 : i64, scratch_operands = 0 : i64, tpu.core_type = #tpu.core_type<tc>} {
    %get3A = arith.constant 0 : index
    %get3A_0 = arith.constant 0 : index
    %get3A_1 = vector.load %arg1[%get3A, %get3A_0] : memref<1x256xf32, #tpu.memory_space<vmem>>, vector<1x256xf32>
    %get3A_2 = arith.constant 256 : index
    %get3A_3 = arith.constant 0 : index
    %get3A_4 = vector.load %arg2[%get3A_2, %get3A_3] : memref<512x256xf32, #tpu.memory_space<vmem>>, vector<256x256xf32>
    %dot_general3A = arith.constant dense<0.000000e+00> : vector<1x256xf32>
    %dot_general3A_5 = tpu.matmul %get3A_1, %get3A_4, %dot_general3A {dimension_numbers = #tpu.dot_dimension_numbers<[1], [0], [0], [1], [0, 0, 1, 1], [], []>, transpose_lhs_hint = false} : vector<1x256xf32>, vector<256x256xf32>, vector<1x256xf32> -> vector<1x256xf32>
    %get3A_6 = arith.constant 0 : index
    %get3A_7 = arith.constant 0 : index
    %get3A_8 = vector.load %arg0[%get3A_6, %get3A_7] : memref<1024x256xf32, #tpu.memory_space<vmem>>, vector<1024x256xf32>
    %get3A_9 = arith.constant 0 : index
    %get3A_10 = arith.constant 0 : index
    %get3A_11 = vector.load %arg2[%get3A_9, %get3A_10] : memref<512x256xf32, #tpu.memory_space<vmem>>, vector<256x256xf32>
    %dot_general3A_12 = arith.constant dense<0.000000e+00> : vector<1024x256xf32>
    %dot_general3A_13 = tpu.matmul %get3A_8, %get3A_11, %dot_general3A_12 {dimension_numbers = #tpu.dot_dimension_numbers<[1], [0], [0], [1], [0, 0, 1, 1], [], []>, transpose_lhs_hint = false} : vector<1024x256xf32>, vector<256x256xf32>, vector<1024x256xf32> -> vector<1024x256xf32>
    %add3A = vector.broadcast %dot_general3A_5 : vector<1x256xf32> to vector<1024x256xf32>
    %add3A_14 = arith.addf %dot_general3A_13, %add3A : vector<1024x256xf32>
    %get3A_15 = arith.constant 0 : index
    %get3A_16 = arith.constant 0 : index
    %get3A_17 = vector.load %arg3[%get3A_15, %get3A_16] : memref<1x256xf32, #tpu.memory_space<vmem>>, vector<1x256xf32>
    %add3A_18 = vector.broadcast %get3A_17 : vector<1x256xf32> to vector<1024x256xf32>
    %add3A_19 = arith.addf %add3A_14, %add3A_18 : vector<1024x256xf32>
    %tanh3A = math.tanh %add3A_19 : vector<1024x256xf32>
    %swap3A = arith.constant 0 : index
    %swap3A_20 = arith.constant 0 : index
    %swap3A_21 = vector.load %arg4[%swap3A, %swap3A_20] : memref<1024x256xf32, #tpu.memory_space<vmem>>, vector<1024x256xf32>
    tpu.vector_store %arg4[%swap3A, %swap3A_20], %tanh3A {strides = array<i32>} : memref<1024x256xf32, #tpu.memory_space<vmem>>, vector<1024x256xf32>,
    return
  }
}

</mosaic_0001>

<sc_bundles>
// kernel: kernel.7.cloned.1.call-start
scs
__scs_entry_jumppad:
0x0: {  	(pc) =	sbr.rel $0x88, $3  }
0x1: {  	(tag) =	ssettag $0x0;
	lr =	simm.s32 $0x1  }
0x2: {  	[smem:$0x3F96] =	sst lr;
	_ =	strace $0xD0000000  }
0x3: {  	_ = 	snop  }
0x4: {  	_ = 	snop  }
0x5: {  	_ = 	snop  }
0x6: {  	_ = 	snop  }
0x7: {  	_ = 	snop  }
__scs_overlays_trampoline_lowered:
0x8: {  	[smem:$0x3FA5] =	sst s0  }
0x9: {  	[smem:$0x3FA6] =	sst s1  }
0xa: {  	[smem:$0x3FA7] =	sst s2  }
0xb: {  	[smem:$0x3FA8] =	sst s3  }
0xc: {  	[smem:$0x3FA9] =	sst s4  }
0xd: {  	[smem:$0x3FAA] =	sst s5  }
0xe: {  	[smem:$0x3FAB] =	sst s6  }
0xf: {  	[smem:$0x3FAC] =	sst s7  }
0x10: {  	[smem:$0x3FAD] =	sst s8  }
0x11: {  	[smem:$0x3FAE] =	sst s9;
	s0 =	simm.s32 @!p0 $0x0  }
0x12: {  	s1 =	sld [smem:$0x3F94];
	s0 =	simm.s32 @p0 $0x1  }
0x13: {  	[smem:$0x3FAF] =	sst s0;
	s0 =	simm.s32 @!p1 $0x0  }
0x14: {  	s2 =	sld [smem:$0x3F93];
	s0 =	simm.s32 @p1 $0x1  }
0x15: {  	[smem:$0x3FB0] =	sst s0;
	s0 =	simm.s32 @!p2 $0x0  }
0x16: {  	s3 =	sld [smem:$0x3FDB];
	s0 =	simm.s32 @p2 $0x1  }
0x17: {  	s4 =	simm.s32 $0x1BF5;
	[smem:$0x3FB2] =	sst s0  }
0x18: {  	s0 =	sld [smem:$0x3F95];
	_ =	swait.ge [sflag:s4], $0x0  }
0x19: {  	s7 =	sld [smem:$0x3F96]  }
0x1a: {  	s8 =	sadd.s32 $0xFFFFE003, lr  }
0x1b: {  	s9 =	sadd.s32 $0xFFFFFEF7, lr;
	s5 =	simm.s32 $0xFFFFFFFF;
	p2 =	slt.u32 s8, $0xFFFFF086  }
0x1c: {  	p1 =	slt.u32 s9, $0xF7A;
	s5 =	simm.s32 @!p2 $0x0  }
0x1d: {  	s5 =	simm.s32 @p1 $0x1;
	p0 =	seq.s32 s7, s2  }
0x1e: {  	s7 =	smul.u32 @!p0 $0xF7A, s2;
	p2 =	seq.s32 @!p0 s5, $0x0  }
0x1f: {  	s9 =	smul.u32 $0xF7A, s1;
	s8 =	simm.s32 @!p0 $0x1BF5;
	p2 =	por !p2, p0  }
0x20: {  	[sflag:s8] =	ssyncset.s32 @!p0 $0xFFFFF086;
	s6 =	sadd.s32 @!p0 s3, s7;
	s7 =	simm.s32 @!p0 $0x108  }
0x21: {  	s3 =	sadd.s32 s3, s9;
	s6 =	sadd.s32 @!p0 $0x88, s6;
	s7 =	simm.s32 @p2 $0x1082  }
0x22: {  	[simem:s7], [sflag:s8] =	dma.local @!p0 [hbm:s6], $0xF7A  }
0x23: {  	s9 =	sor.u32 $0xD0000000, s2;
	s6 =	simm.s32 $0x108;
	_ =	swait.ge @!p0 [sflag:s8], $0x0  }
0x24: {  	s3 =	sadd.s32 $0x88, s3;
	s6 =	simm.s32 @!p1 $0x1082;
	[sflag:s4] =	ssyncset.s32 $0xFFFFF086  }
0x25: {  	[simem:s6], [sflag:s4] =	dma.local [hbm:s3], $0xF7A  }
0x26: {  	[smem:$0x3F96] =	sst s1;
	(tag) =	ssettag s2;
	_ =	strace s9  }
0x27: {  	s1 =	sld [smem:$0x3FA6]  }
0x28: {  	s2 =	sld [smem:$0x3FA7]  }
0x29: {  	s4 =	sld [smem:$0x3FA9]  }
0x2a: {  	p0 =	seq.s32 s5, $0x0;
	s5 =	sld [smem:$0x3FAA]  }
0x2b: {  	s6 =	sld [smem:$0x3FAB]  }
0x2c: {  	s7 =	sld [smem:$0x3FAC]  }
0x2d: {  	s3 =	simm.s32 $0x108;
	s8 =	sld [smem:$0x3FAD]  }
0x2e: {  	s3 =	simm.s32 @!p0 $0x1082;
	s9 =	sld [smem:$0x3FAE]  }
0x2f: {  	lr =	sadd.s32 s0, s3;
	s0 =	sld [smem:$0x3FA5]  }
0x30: {  	s3 =	sld [smem:$0x3FA8]  }
0x31: {  	[smem:$0x3FB1] =	sst s10  }
0x32: {  	s10 =	sld [smem:$0x3FAF];
	_ =	sdelay $0x3  }
0x33: {  	p0 =	seq.s32 s10, $0x1;
	s10 =	sld [smem:$0x3FB1];
	_ =	sdelay $0x3  }
0x34: {  	[smem:$0x3FB1] =	sst s10  }
0x35: {  	s10 =	sld [smem:$0x3FB0];
	_ =	sdelay $0x3  }
0x36: {  	p1 =	seq.s32 s10, $0x1;
	s10 =	sld [smem:$0x3FB1];
	_ =	sdelay $0x3  }
0x37: {  	[smem:$0x3FB1] =	sst s10  }
0x38: {  	s10 =	sld [smem:$0x3FB2]  }
0x39: {  	_ = 	snop;
	(pc) =	sbr.ind lr, $3  }
0x3a: {  	_ = 	snop  }
0x3b: {  	_ = 	snop  }
0x3c: {  	p2 =	seq.s32 s10, $0x1;
	s10 =	sld [smem:$0x3FB1]  }
0x3d: {  	_ =	shalt  }
0x3e: {  	_ =	shalt  }
0x3f: {  	_ =	shalt  }
0x40: {  	_ =	shalt  }
0x41: {  	_ =	shalt  }
0x42: {  	_ =	shalt  }
0x43: {  	_ =	shalt  }
0x44: {  	_ =	shalt  }
0x45: {  	_ =	shalt  }
0x46: {  	_ =	shalt  }
0x47: {  	_ =	shalt  }
0x48: {  	_ =	shalt  }
0x49: {  	_ =	shalt  }
0x4a: {  	_ =	shalt  }
0x4b: {  	_ =	shalt  }
0x4c: {  	_ =	shalt  }
0x4d: {  	_ =	shalt  }
0x4e: {  	_ =	shalt  }
0x4f: {  	_ =	shalt  }
0x50: {  	_ =	shalt  }
0x51: {  	_ =	shalt  }
0x52: {  	_ =	shalt  }
0x53: {  	_ =	shalt  }
0x54: {  	_ =	shalt  }
0x55: {  	_ =	shalt  }
0x56: {  	_ =	shalt  }
0x57: {  	_ =	shalt  }
0x58: {  	_ =	shalt  }
0x59: {  	_ =	shalt  }
0x5a: {  	_ =	shalt  }
0x5b: {  	_ =	shalt  }
0x5c: {  	_ =	shalt  }
0x5d: {  	_ =	shalt  }
0x5e: {  	_ =	shalt  }
0x5f: {  	_ =	shalt  }
0x60: {  	_ =	shalt  }
0x61: {  	_ =	shalt  }
0x62: {  	_ =	shalt  }
0x63: {  	_ =	shalt  }
0x64: {  	_ =	shalt  }
0x65: {  	_ =	shalt  }
0x66: {  	_ =	shalt  }
0x67: {  	_ =	shalt  }
0x68: {  	_ =	shalt  }
0x69: {  	_ =	shalt  }
0x6a: {  	_ =	shalt  }
0x6b: {  	_ =	shalt  }
0x6c: {  	_ =	shalt  }
0x6d: {  	_ =	shalt  }
0x6e: {  	_ =	shalt  }
0x6f: {  	_ =	shalt  }
0x70: {  	_ =	shalt  }
0x71: {  	_ =	shalt  }
0x72: {  	_ =	shalt  }
0x73: {  	_ =	shalt  }
0x74: {  	_ =	shalt  }
0x75: {  	_ =	shalt  }
0x76: {  	_ =	shalt  }
0x77: {  	_ =	shalt  }
0x78: {  	_ =	shalt  }
0x79: {  	_ =	shalt  }
0x7a: {  	_ =	shalt  }
0x7b: {  	_ =	shalt  }
0x7c: {  	_ =	shalt  }
0x7d: {  	_ =	shalt  }
0x7e: {  	_ =	shalt  }
0x7f: {  	_ =	shalt  }
0x80: {  	_ =	shalt  }
0x81: {  	_ =	shalt  }
0x82: {  	_ =	shalt  }
0x83: {  	_ =	shalt  }
0x84: {  	_ =	shalt  }
0x85: {  	_ =	shalt  }
0x86: {  	_ =	shalt  }
0x87: {  	_ =	shalt  }
.Lfunc_end0:
.L_simem_size_0:
called_computation_lowered:
.L_overlay_start_0:
0x88: {  	s2 =	sld [smem:$0x3FD9]  }
0x89: {  	s3 =	sld [smem:$0x3FFE];
	_ =	sdelay $0x1  }
0x8a: {  	s1 =	srdreg.scid  }
0x8b: {  	s0 =	sand.u32 $0x1, s1  }
0x8c: {  	s16 =	sshll.u32 s0, $0xA;
	s2 =	sadd.s32 s3, s2  }
0x8d: {  	s2 =	sadd.s32 s2, s16  }
0x8e: {  	[smem:$0x3FBD] =	sst s2  }
0x8f: {  	_ = 	snop  }
0x90: {  	(tm) =	ssettm $0x1  }
0x91: {  	s17 =	sld [smem:$0x3FFB];
	_ =	sdelay $0x3  }
0x92: {  	_ =	strace s17  }
0x93: {  	s2 =	sld [smem:$0x3FFC];
	_ =	sdelay $0x3  }
0x94: {  	_ =	strace s2  }
0x95: {  	s2 =	sld [smem:$0x3FFD];
	_ =	sdelay $0x3  }
0x96: {  	_ =	strace s2  }
0x97: {  	_ =	strace $0x8FFFFFFF  }
0x98: {  	s18 =	sld [smem:$0x3FDB];
	_ =	sdelay $0x1  }
0x99: {  	s19 =	simm.s32 $_scs_section_size  }
0x9a: {  	s4 =	simm.s32 $_size__tile_overlayer_lowered;
	s5 =	simm.s32 $_tile_overlayer_lowered  }
0x9b: {  	s22 =	simm.s32 $0x1BFF;
	s21 =	sshll.u32 s5, $0x1;
	s2 =	sadd.s32 s19, s18  }
0x9c: {  	s6 =	simm.s32 $0x0;
	s20 =	sshll.u32 s4, $0x1;
	s4 =	sadd.s32 s21, s2  }
0x9d: {  	[timem:s6], [sflag:s22] =	dma.local [hbm:s4], s20  }
0x9e: {  	_ =	swait.ge [sflag:s22], s20  }
0x9f: {  	s3 =	ssub.s32 $0x0, s20;
	[sflag:s22] =	ssyncset.done $0x0  }
0xa0: {  	[sflag:s22] =	ssyncadd.s32 s3;
	_ =	sdelay $0x1  }
0xa1: {  	s23 =	simm.s32 $0x1B8B  }
0xa2: {  	_ =	swait.ge [sflag:s23], $0x1  }
0xa3: {  	[sflag:s23] =	ssyncset.done $0x0  }
0xa4: {  	s25 =	simm.s32 $0x1B8E;
	s24 =	sld [smem:$0x3FFE];
	[sflag:s23] =	ssyncadd.s32 $0xFFFFFFFF  }
0xa5: {  	s26 =	simm.s32 $execute0_lowered;
	[smem:$0x3FD2] =	sst s25  }
0xa6: {  	s4 =	sshll.u32 s26, $0x1;
	_ =	strace $0x80000046;
	[dreg:$0x1] =	wrdreg $0xFFFFFFFF  }
0xa7: {  	s28 =	simm.s32 $_size_execute0_lowered;
	s2 =	sadd.s32 s2, s4;
	[dreg:$0x0] =	wrdreg $0x0  }
0xa8: {  	s4 =	sshll.u32 s28, $0x1;
	[dreg:$0x2] =	wrdreg s2  }
0xa9: {  	[dreg:$0x3] =	wrdreg s4  }
0xaa: {  	[dreg:$0x4] =	wrdreg $0xC0  }
0xab: {  	_ =	task [dreg:s6], $0x5FFFF  }
0xac: {  	[dreg:$0x1] =	wrdreg $0xFFFFFFFF  }
0xad: {  	[dreg:$0x0] =	wrdreg $0x60  }
0xae: {  	[dreg:$0x2] =	wrdreg s24  }
0xaf: {  	[dreg:$0x3] =	wrdreg $0x90000  }
0xb0: {  	[dreg:$0x4] =	wrdreg $0x9  }
0xb1: {  	_ =	task.clear_ibuf [dreg:s6], $0x5FFFF;
	_ =	strace $0x90000046  }
0xb2: {  	s29 =	simm.s32 $0x9;
	_ =	strace $0x80000048  }
0xb3: {  	_ =	swait.ge [sflag:s29], $0x1  }
0xb4: {  	[sflag:s29] =	ssyncadd.s32 $0xFFFFFFFF  }
0xb5: {  	_ =	strace $0x90000048  }
0xb6: {  	_ =	sfence  }
0xb7: {  	s30 =	sld [smem:$0x0];
	_ =	sdelay $0x2  }
0xb8: {  	s31 =	sshll.u32 s1, $0xD;
	s1 =	sshrl.u32 s1, $0x2  }
0xb9: {  	s3 =	sand.u32 $0x4000, s31;
	s1 =	sadd.s32 s1, s30  }
0xba: {  	s0 =	sor.u32 s3, s0;
	s1 =	sshll.u32 s1, $0x11  }
0xbb: {  	s0 =	sor.u32 s1, s0  }
0xbc: {  	s0 =	sadd.s32 $0x8F2B, s0  }
0xbd: {  	[sflag:s0] =	ssyncadd.remote.s32 $0x1  }
0xbe: {  	_ =	sfence.sel $0xFFFF  }
0xbf: {  	[dreg:$0x0] =	wrdreg $0xFFFFFFFF;
	(pc) =	sbr.abs _section_cstart, $3  }
0xc0: {  	[dreg:$0x1] =	wrdreg $0xFFFFFFFF  }
0xc1: {  	_ =	task.clear_ibuf [dreg:s6], $0x2FFFF;
	_ =	strace $0x9FFFFFFF  }
0xc2: {  	(tm) =	ssettm $0x7FFFFFFF  }
0xc3: {  	_ =	shalt  }
tec
execute0_lowered:
.L_overlay_start_1:
0x0: {  	(tag) =	ssettag $0x1  }
0x1: {  	s0 =	rddreg [dreg:$0x0]  }
0x2: {  	s1 =	rddreg [dreg:$0x1];
	s2 =	simm.s32 $0x0  }
0x3: {  	s3 =	srdreg.scid;
	s12 =	stileid.u32;
	s14 =	simm.s32 $0x100  }
0x4: {  	s15 =	simm.s32 $0x880;
	s17 =	simm.s32 $0x180;
	s18 =	simm.s32 $0x900  }
0x5: {  	s19 =	simm.s32 $0x200;
	s20 =	simm.s32 $0x980;
	[smem:$0x7FF] =	sst s2  }
0x6: {  	s21 =	simm.s32 $0x280;
	_ =	strace $0x80000047;
	[dreg:$0x5] =	wrdreg s14  }
0x7: {  	s22 =	simm.s32 $0xA00;
	s23 =	simm.s32 $0x300;
	[dreg:$0x6] =	wrdreg s15  }
0x8: {  	s24 =	simm.s32 $0xA80;
	s25 =	simm.s32 $0x380;
	[dreg:$0x7] =	wrdreg s17  }
0x9: {  	s26 =	simm.s32 $0xB00;
	s28 =	simm.s32 $0x680;
	[dreg:$0x8] =	wrdreg s18  }
0xa: {  	s29 =	simm.s32 $0xE00;
	s30 =	simm.s32 $0x700;
	[dreg:$0x9] =	wrdreg s19  }
0xb: {  	s31 =	simm.s32 $0xE80;
	s3 =	sand.u32 $0x1, s3;
	[dreg:$0xa] =	wrdreg s20  }
0xc: {  	s4 =	sadd.s32 $0x1800, s0;
	s8 =	smul.u32 $0x28000, s12;
	[dreg:$0xb] =	wrdreg s21  }
0xd: {  	s6 =	sadd.s32 $0x29800, s0;
	s10 =	smul.u32 $0x500, s12;
	[dreg:$0xc] =	wrdreg s22  }
0xe: {  	s11 =	sadd.s32 $0x65800, s0;
	s16 =	sshll.u32 s12, $0x6;
	[dreg:$0xd] =	wrdreg s23  }
0xf: {  	s12 =	simm.s32 $0x80;
	s5 =	smul.u32 $0x5000, s3;
	[dreg:$0xe] =	wrdreg s24  }
0x10: {  	s7 =	ssub.s32 $0x2, s3;
	p0 =	seq.s32 s3, $0x0;
	[dreg:$0xf] =	wrdreg s25  }
0x11: {  	s14 =	simm.s32 $0x5000;
	s15 =	simm.s32 $0x1;
	[dreg:$0x10] =	wrdreg s26  }
0x12: {  	s17 =	simm.s32 $0x400;
	s18 =	simm.s32 $0xB80;
	s19 =	simm.s32 $0x480  }
0x13: {  	s20 =	simm.s32 $0xC00;
	s21 =	simm.s32 $0x500;
	s22 =	simm.s32 $0xC80  }
0x14: {  	s23 =	simm.s32 $0x580;
	s24 =	simm.s32 $0xD00;
	s25 =	simm.s32 $0x600  }
0x15: {  	s26 =	simm.s32 $0xD80;
	s9 =	sshrl.u32 s7, $0x1;
	s6 =	smov.u32 @p0 s4  }
0x16: {  	s5 =	sadd.s32 s5, s0;
	s0 =	sadd.s32 $0x8D800, s0;
	s7 =	ssub.s32 s7, s9  }
0x17: {  	s9 =	sshrl.u32 s8, $0x1;
	s8 =	sshrl.u32 s8, $0x4;
	s5 =	sadd.s32 s10, s5  }
0x18: {  	s3 =	sadd.s32 s9, s1;
	s7 =	smax.u32 s7, $0x1;
	s6 =	sadd.s32 s6, s8  }
0x19: {  	s0 =	smov.u32 @p0 s11;
	s10 =	simm.s32 $0x3;
	[dreg:$0x11] =	wrdreg s7  }
0x1a: {  	s11 =	simm.s32 $0x800;
	s13 =	sadd.s32 $0x51800, s5;
	[dreg:$0x12] =	wrdreg s6  }
0x1b: {  	s9 =	simm.s32 $0x0;
	s5 =	sadd.s32 $0x5B800, s5;
	[dreg:$0x3] =	wrdreg s13  }
0x1c: {  	s7 =	sor.u32 $0x1C03, s16;
	s0 =	sadd.s32 s0, s8;
	[dreg:$0x4] =	wrdreg s5  }
0x1d: {  	s8 =	sshrl.u32 s3, $0x3;
	s16 =	simm.s32 $0x2;
	[dreg:$0x14] =	wrdreg s0  }
0x1e: {  	s3 =	simm.s32 $0xF00;
	s13 =	simm.s32 $0x1000;
	[dreg:$0x13] =	wrdreg s7  }
0x1f: {  	s0 =	simm.s32 $0x780;
	s5 =	simm.s32 $0xF80;
	[dreg:$0x15] =	wrdreg s8  }
.LBB2_1:
0x20: {  	[dreg:$0x16] =	wrdreg s9  }
0x21: {  	s6 =	rddreg [dreg:$0x12]  }
0x22: {  	[spmem:s8], [sflag:s7] =	dma.local [hbm:s6], $0x2800  }
0x23: {  	_ =	swait.ge [sflag:s10], $0x2800  }
0x24: {  	[sflag:s10] =	ssyncset.done $0x0  }
0x25: {  	[sflag:s10] =	ssyncadd.s32 $0xFFFFD800  }
0x26: {  	[bflag:$0x0] =	sbarrier.arrive $0xFFFF  }
0x27: {  	s8 =	rddreg [dreg:$0x3]  }
0x28: {  	s7 =	sadd.s32 $0x0, s8  }
0x29: {  	[tilespmem:s2], [sflag:$0x3] =	stream.linear.gather [hbm4b:s7+s2], $0x800, $0x38;
	[tilespmem:$0x1D000] =	vst v63  }
0x2a: {  	_ =	swait.ge [sflag:s10], $0x800  }
0x2b: {  	s9 =	rddreg [dreg:$0x4];
	[sflag:s10] =	ssyncset.done $0x0  }
0x2c: {  	[sflag:s10] =	ssyncadd.s32 $0xFFFFF800;
	s7 =	sadd.s32 $0x0, s9  }
0x2d: {  	[tilespmem:s11], [sflag:$0x3] =	stream.linear.gather [hbm4b:s7+s2], $0x800, $0x38;
	[tilespmem:$0x1D000] =	vst v63  }
0x2e: {  	_ =	swait.ge [sflag:s10], $0x800  }
0x2f: {  	[sflag:s10] =	ssyncset.done $0x0  }
0x30: {  	[sflag:s10] =	ssyncadd.s32 $0xFFFFF800  }
0x31: {  	[tilespmem:s13], [sflag:$0x1] =	stream.indirect.gather [hbm4b:s4+s12], $0x80, s2, s12, $0xb8;
	[tilespmem:$0x1D000] =	vst v63  }
0x32: {  	_ = 	snop  }
0x33: {  	[tilespmem:s14], [sflag:$0x2] =	stream.indirect.gather [hbm4b:s4+s12], $0x80, s12, s12, $0xb8;
	[tilespmem:$0x1D000] =	vst v63  }
0x34: {  	_ =	swait.ge [sflag:s15], $0x4000  }
0x35: {  	[sflag:s15] =	ssyncset.done $0x0  }
0x36: {  	[sflag:s15] =	ssyncadd.s32 $0xFFFFC000  }
0x37: {  	[spmem:s1] =	stream.indirect.scatter.add.bf16 [tilespmem:s13], [sflag:$0x3], $0x80, s11, s12, $0xb8;
	[tilespmem:$0x1D000] =	vst v63  }
0x38: {  	_ =	swait.ge [sflag:s10], $0x4000  }
0x39: {  	[sflag:s10] =	ssyncset.done $0x0  }
0x3a: {  	s6 =	rddreg [dreg:$0x5];
	[sflag:s10] =	ssyncadd.s32 $0xFFFFC000  }
0x3b: {  	[tilespmem:s13], [sflag:$0x1] =	stream.indirect.gather [hbm4b:s4+s12], $0x80, s6, s12, $0xb8;
	[tilespmem:$0x1D000] =	vst v63  }
0x3c: {  	_ =	swait.ge [sflag:s16], $0x4000  }
0x3d: {  	[sflag:s16] =	ssyncset.done $0x0  }
0x3e: {  	s8 =	rddreg [dreg:$0x6];
	[sflag:s16] =	ssyncadd.s32 $0xFFFFC000  }
0x3f: {  	[spmem:s1] =	stream.indirect.scatter.add.bf16 [tilespmem:s14], [sflag:$0x3], $0x80, s8, s12, $0xb8;
	[tilespmem:$0x1D000] =	vst v63  }
0x40: {  	_ =	swait.ge [sflag:s10], $0x4000  }
0x41: {  	[sflag:s10] =	ssyncset.done $0x0  }
0x42: {  	s9 =	rddreg [dreg:$0x7];
	[sflag:s10] =	ssyncadd.s32 $0xFFFFC000  }
0x43: {  	[tilespmem:s14], [sflag:$0x2] =	stream.indirect.gather [hbm4b:s4+s12], $0x80, s9, s12, $0xb8;
	[tilespmem:$0x1D000] =	vst v63  }
0x44: {  	_ =	swait.ge [sflag:s15], $0x4000  }
0x45: {  	[sflag:s15] =	ssyncset.done $0x0  }
0x46: {  	s6 =	rddreg [dreg:$0x8];
	[sflag:s15] =	ssyncadd.s32 $0xFFFFC000  }
0x47: {  	[spmem:s1] =	stream.indirect.scatter.add.bf16 [tilespmem:s13], [sflag:$0x3], $0x80, s6, s12, $0xb8;
	[tilespmem:$0x1D000] =	vst v63  }
0x48: {  	_ =	swait.ge [sflag:s10], $0x4000  }
0x49: {  	[sflag:s10] =	ssyncset.done $0x0  }
0x4a: {  	s8 =	rddreg [dreg:$0x9];
	[sflag:s10] =	ssyncadd.s32 $0xFFFFC000  }
0x4b: {  	[tilespmem:s13], [sflag:$0x1] =	stream.indirect.gather [hbm4b:s4+s12], $0x80, s8, s12, $0xb8;
	[tilespmem:$0x1D000] =	vst v63  }
0x4c: {  	_ =	swait.ge [sflag:s16], $0x4000  }
0x4d: {  	[sflag:s16] =	ssyncset.done $0x0  }
0x4e: {  	s9 =	rddreg [dreg:$0xa];
	[sflag:s16] =	ssyncadd.s32 $0xFFFFC000  }
0x4f: {  	[spmem:s1] =	stream.indirect.scatter.add.bf16 [tilespmem:s14], [sflag:$0x3], $0x80, s9, s12, $0xb8;
	[tilespmem:$0x1D000] =	vst v63  }
0x50: {  	_ =	swait.ge [sflag:s10], $0x4000  }
0x51: {  	[sflag:s10] =	ssyncset.done $0x0  }
0x52: {  	s6 =	rddreg [dreg:$0xb];
	[sflag:s10] =	ssyncadd.s32 $0xFFFFC000  }
0x53: {  	[tilespmem:s14], [sflag:$0x2] =	stream.indirect.gather [hbm4b:s4+s12], $0x80, s6, s12, $0xb8;
	[tilespmem:$0x1D000] =	vst v63  }
0x54: {  	_ =	swait.ge [sflag:s15], $0x4000  }
0x55: {  	[sflag:s15] =	ssyncset.done $0x0  }
0x56: {  	s8 =	rddreg [dreg:$0xc];
	[sflag:s15] =	ssyncadd.s32 $0xFFFFC000  }
0x57: {  	[spmem:s1] =	stream.indirect.scatter.add.bf16 [tilespmem:s13], [sflag:$0x3], $0x80, s8, s12, $0xb8;
	[tilespmem:$0x1D000] =	vst v63  }
0x58: {  	_ =	swait.ge [sflag:s10], $0x4000  }
0x59: {  	[sflag:s10] =	ssyncset.done $0x0  }
0x5a: {  	s9 =	rddreg [dreg:$0xd];
	[sflag:s10] =	ssyncadd.s32 $0xFFFFC000  }
0x5b: {  	[tilespmem:s13], [sflag:$0x1] =	stream.indirect.gather [hbm4b:s4+s12], $0x80, s9, s12, $0xb8;
	[tilespmem:$0x1D000] =	vst v63  }
0x5c: {  	_ =	swait.ge [sflag:s16], $0x4000  }
0x5d: {  	[sflag:s16] =	ssyncset.done $0x0  }
0x5e: {  	s6 =	rddreg [dreg:$0xe];
	[sflag:s16] =	ssyncadd.s32 $0xFFFFC000  }
0x5f: {  	[spmem:s1] =	stream.indirect.scatter.add.bf16 [tilespmem:s14], [sflag:$0x3], $0x80, s6, s12, $0xb8;
	[tilespmem:$0x1D000] =	vst v63  }
0x60: {  	_ =	swait.ge [sflag:s10], $0x4000  }
0x61: {  	[sflag:s10] =	ssyncset.done $0x0  }
0x62: {  	s8 =	rddreg [dreg:$0xf];
	[sflag:s10] =	ssyncadd.s32 $0xFFFFC000  }
0x63: {  	[tilespmem:s14], [sflag:$0x2] =	stream.indirect.gather [hbm4b:s4+s12], $0x80, s8, s12, $0xb8;
	[tilespmem:$0x1D000] =	vst v63  }
0x64: {  	_ =	swait.ge [sflag:s15], $0x4000  }
0x65: {  	[sflag:s15] =	ssyncset.done $0x0  }
0x66: {  	s9 =	rddreg [dreg:$0x10];
	[sflag:s15] =	ssyncadd.s32 $0xFFFFC000  }
0x67: {  	[spmem:s1] =	stream.indirect.scatter.add.bf16 [tilespmem:s13], [sflag:$0x3], $0x80, s9, s12, $0xb8;
	[tilespmem:$0x1D000] =	vst v63  }
0x68: {  	_ =	swait.ge [sflag:s10], $0x4000  }
0x69: {  	[sflag:s10] =	ssyncset.done $0x0  }
0x6a: {  	[sflag:s10] =	ssyncadd.s32 $0xFFFFC000  }
0x6b: {  	[tilespmem:s13], [sflag:$0x1] =	stream.indirect.gather [hbm4b:s4+s12], $0x80, s17, s12, $0xb8;
	[tilespmem:$0x1D000] =	vst v63  }
0x6c: {  	_ =	swait.ge [sflag:s16], $0x4000  }
0x6d: {  	[sflag:s16] =	ssyncset.done $0x0  }
0x6e: {  	[sflag:s16] =	ssyncadd.s32 $0xFFFFC000  }
0x6f: {  	[spmem:s1] =	stream.indirect.scatter.add.bf16 [tilespmem:s14], [sflag:$0x3], $0x80, s18, s12, $0xb8;
	[tilespmem:$0x1D000] =	vst v63  }
0x70: {  	_ =	swait.ge [sflag:s10], $0x4000  }
0x71: {  	[sflag:s10] =	ssyncset.done $0x0  }
0x72: {  	[sflag:s10] =	ssyncadd.s32 $0xFFFFC000  }
0x73: {  	[tilespmem:s14], [sflag:$0x2] =	stream.indirect.gather [hbm4b:s4+s12], $0x80, s19, s12, $0xb8;
	[tilespmem:$0x1D000] =	vst v63  }
0x74: {  	_ =	swait.ge [sflag:s15], $0x4000  }
0x75: {  	[sflag:s15] =	ssyncset.done $0x0  }
0x76: {  	[sflag:s15] =	ssyncadd.s32 $0xFFFFC000  }
0x77: {  	[spmem:s1] =	stream.indirect.scatter.add.bf16 [tilespmem:s13], [sflag:$0x3], $0x80, s20, s12, $0xb8;
	[tilespmem:$0x1D000] =	vst v63  }
0x78: {  	_ =	swait.ge [sflag:s10], $0x4000  }
0x79: {  	[sflag:s10] =	ssyncset.done $0x0  }
0x7a: {  	[sflag:s10] =	ssyncadd.s32 $0xFFFFC000  }
0x7b: {  	[tilespmem:s13], [sflag:$0x1] =	stream.indirect.gather [hbm4b:s4+s12], $0x80, s21, s12, $0xb8;
	[tilespmem:$0x1D000] =	vst v63  }
0x7c: {  	_ =	swait.ge [sflag:s16], $0x4000  }
0x7d: {  	[sflag:s16] =	ssyncset.done $0x0  }
0x7e: {  	[sflag:s16] =	ssyncadd.s32 $0xFFFFC000  }
0x7f: {  	[spmem:s1] =	stream.indirect.scatter.add.bf16 [tilespmem:s14], [sflag:$0x3], $0x80, s22, s12, $0xb8;
	[tilespmem:$0x1D000] =	vst v63  }
0x80: {  	_ =	swait.ge [sflag:s10], $0x4000  }
0x81: {  	[sflag:s10] =	ssyncset.done $0x0  }
0x82: {  	[sflag:s10] =	ssyncadd.s32 $0xFFFFC000  }
0x83: {  	[tilespmem:s14], [sflag:$0x2] =	stream.indirect.gather [hbm4b:s4+s12], $0x80, s23, s12, $0xb8;
	[tilespmem:$0x1D000] =	vst v63  }
0x84: {  	_ =	swait.ge [sflag:s15], $0x4000  }
0x85: {  	[sflag:s15] =	ssyncset.done $0x0  }
0x86: {  	[sflag:s15] =	ssyncadd.s32 $0xFFFFC000  }
0x87: {  	[spmem:s1] =	stream.indirect.scatter.add.bf16 [tilespmem:s13], [sflag:$0x3], $0x80, s24, s12, $0xb8;
	[tilespmem:$0x1D000] =	vst v63  }
0x88: {  	_ =	swait.ge [sflag:s10], $0x4000  }
0x89: {  	[sflag:s10] =	ssyncset.done $0x0  }
0x8a: {  	[sflag:s10] =	ssyncadd.s32 $0xFFFFC000  }
0x8b: {  	[tilespmem:s13], [sflag:$0x1] =	stream.indirect.gather [hbm4b:s4+s12], $0x80, s25, s12, $0xb8;
	[tilespmem:$0x1D000] =	vst v63  }
0x8c: {  	_ =	swait.ge [sflag:s16], $0x4000  }
0x8d: {  	[sflag:s16] =	ssyncset.done $0x0  }
0x8e: {  	[sflag:s16] =	ssyncadd.s32 $0xFFFFC000  }
0x8f: {  	[spmem:s1] =	stream.indirect.scatter.add.bf16 [tilespmem:s14], [sflag:$0x3], $0x80, s26, s12, $0xb8;
	[tilespmem:$0x1D000] =	vst v63  }
0x90: {  	_ =	swait.ge [sflag:s10], $0x4000  }
0x91: {  	[sflag:s10] =	ssyncset.done $0x0  }
0x92: {  	[sflag:s10] =	ssyncadd.s32 $0xFFFFC000  }
0x93: {  	[tilespmem:s14], [sflag:$0x2] =	stream.indirect.gather [hbm4b:s4+s12], $0x80, s28, s12, $0xb8;
	[tilespmem:$0x1D000] =	vst v63  }
0x94: {  	_ =	swait.ge [sflag:s15], $0x4000  }
0x95: {  	[sflag:s15] =	ssyncset.done $0x0  }
0x96: {  	[sflag:s15] =	ssyncadd.s32 $0xFFFFC000  }
0x97: {  	[spmem:s1] =	stream.indirect.scatter.add.bf16 [tilespmem:s13], [sflag:$0x3], $0x80, s29, s12, $0xb8;
	[tilespmem:$0x1D000] =	vst v63  }
0x98: {  	_ =	swait.ge [sflag:s10], $0x4000  }
0x99: {  	[sflag:s10] =	ssyncset.done $0x0  }
0x9a: {  	[sflag:s10] =	ssyncadd.s32 $0xFFFFC000  }
0x9b: {  	[tilespmem:s13], [sflag:$0x1] =	stream.indirect.gather [hbm4b:s4+s12], $0x80, s30, s12, $0xb8;
	[tilespmem:$0x1D000] =	vst v63  }
0x9c: {  	_ =	swait.ge [sflag:s16], $0x4000  }
0x9d: {  	[sflag:s16] =	ssyncset.done $0x0  }
0x9e: {  	[sflag:s16] =	ssyncadd.s32 $0xFFFFC000  }
0x9f: {  	[spmem:s1] =	stream.indirect.scatter.add.bf16 [tilespmem:s14], [sflag:$0x3], $0x80, s31, s12, $0xb8;
	[tilespmem:$0x1D000] =	vst v63  }
0xa0: {  	_ =	swait.ge [sflag:s10], $0x4000  }
0xa1: {  	[sflag:s10] =	ssyncset.done $0x0  }
0xa2: {  	[sflag:s10] =	ssyncadd.s32 $0xFFFFC000  }
0xa3: {  	[tilespmem:s14], [sflag:$0x2] =	stream.indirect.gather [hbm4b:s4+s12], $0x80, s0, s12, $0xb8;
	[tilespmem:$0x1D000] =	vst v63  }
0xa4: {  	_ =	swait.ge [sflag:s15], $0x4000  }
0xa5: {  	[sflag:s15] =	ssyncset.done $0x0  }
0xa6: {  	[sflag:s15] =	ssyncadd.s32 $0xFFFFC000  }
0xa7: {  	[spmem:s1] =	stream.indirect.scatter.add.bf16 [tilespmem:s13], [sflag:$0x3], $0x80, s3, s12, $0xb8;
	[tilespmem:$0x1D000] =	vst v63  }
0xa8: {  	_ =	swait.ge [sflag:s10], $0x4000  }
0xa9: {  	[sflag:s10] =	ssyncset.done $0x0  }
0xaa: {  	[sflag:s10] =	ssyncadd.s32 $0xFFFFC000  }
0xab: {  	_ =	swait.ge [sflag:s16], $0x4000  }
0xac: {  	[sflag:s16] =	ssyncset.done $0x0  }
0xad: {  	[sflag:s16] =	ssyncadd.s32 $0xFFFFC000  }
0xae: {  	[spmem:s1] =	stream.indirect.scatter.add.bf16 [tilespmem:s14], [sflag:$0x3], $0x80, s5, s12, $0xb8;
	[tilespmem:$0x1D000] =	vst v63  }
0xaf: {  	s7 =	simm.s32 $0x200;
	_ =	swait.ge [sflag:s10], $0x4000  }
0xb0: {  	s8 =	simm.s32 $0x100;
	s9 =	rddreg [dreg:$0x3];
	[sflag:s10] =	ssyncset.done $0x0  }
.LBB2_2:
0xb1: {  	[sflag:s10] =	ssyncadd.s32 $0xFFFFC000;
	s9 =	sadd.s32 s8, s9  }
0xb2: {  	[tilespmem:s2], [sflag:$0x3] =	stream.linear.gather [hbm4b:s9+s2], $0x800, $0x38;
	[tilespmem:$0x1D000] =	vst v63  }
0xb3: {  	_ =	swait.ge [sflag:s10], $0x800  }
0xb4: {  	s9 =	rddreg [dreg:$0x4];
	[sflag:s10] =	ssyncset.done $0x0  }
0xb5: {  	[sflag:s10] =	ssyncadd.s32 $0xFFFFF800;
	s9 =	sadd.s32 s8, s9  }
0xb6: {  	[tilespmem:s11], [sflag:$0x3] =	stream.linear.gather [hbm4b:s9+s2], $0x800, $0x38;
	[tilespmem:$0x1D000] =	vst v63  }
0xb7: {  	_ =	swait.ge [sflag:s10], $0x800  }
0xb8: {  	[sflag:s10] =	ssyncset.done $0x0  }
0xb9: {  	[sflag:s10] =	ssyncadd.s32 $0xFFFFF800  }
0xba: {  	[tilespmem:s13], [sflag:$0x1] =	stream.indirect.gather [hbm4b:s4+s12], $0x80, s2, s12, $0xb8;
	[tilespmem:$0x1D000] =	vst v63  }
0xbb: {  	_ = 	snop  }
0xbc: {  	[tilespmem:s14], [sflag:$0x2] =	stream.indirect.gather [hbm4b:s4+s12], $0x80, s12, s12, $0xb8;
	[tilespmem:$0x1D000] =	vst v63  }
0xbd: {  	_ =	swait.ge [sflag:s15], $0x4000  }
0xbe: {  	[sflag:s15] =	ssyncset.done $0x0  }
0xbf: {  	[sflag:s15] =	ssyncadd.s32 $0xFFFFC000  }
0xc0: {  	[spmem:s1] =	stream.indirect.scatter.add.bf16 [tilespmem:s13], [sflag:$0x3], $0x80, s11, s12, $0xb8;
	[tilespmem:$0x1D000] =	vst v63  }
0xc1: {  	_ =	swait.ge [sflag:s10], $0x4000  }
0xc2: {  	[sflag:s10] =	ssyncset.done $0x0  }
0xc3: {  	s9 =	rddreg [dreg:$0x5];
	[sflag:s10] =	ssyncadd.s32 $0xFFFFC000  }
0xc4: {  	[tilespmem:s13], [sflag:$0x1] =	stream.indirect.gather [hbm4b:s4+s12], $0x80, s9, s12, $0xb8;
	[tilespmem:$0x1D000] =	vst v63  }
0xc5: {  	_ =	swait.ge [sflag:s16], $0x4000  }
0xc6: {  	[sflag:s16] =	ssyncset.done $0x0  }
0xc7: {  	s9 =	rddreg [dreg:$0x6];
	[sflag:s16] =	ssyncadd.s32 $0xFFFFC000  }
0xc8: {  	[spmem:s1] =	stream.indirect.scatter.add.bf16 [tilespmem:s14], [sflag:$0x3], $0x80, s9, s12, $0xb8;
	[tilespmem:$0x1D000] =	vst v63  }
0xc9: {  	_ =	swait.ge [sflag:s10], $0x4000  }
0xca: {  	[sflag:s10] =	ssyncset.done $0x0  }
0xcb: {  	s9 =	rddreg [dreg:$0x7];
	[sflag:s10] =	ssyncadd.s32 $0xFFFFC000  }
0xcc: {  	[tilespmem:s14], [sflag:$0x2] =	stream.indirect.gather [hbm4b:s4+s12], $0x80, s9, s12, $0xb8;
	[tilespmem:$0x1D000] =	vst v63  }
0xcd: {  	_ =	swait.ge [sflag:s15], $0x4000  }
0xce: {  	[sflag:s15] =	ssyncset.done $0x0  }
0xcf: {  	s9 =	rddreg [dreg:$0x8];
	[sflag:s15] =	ssyncadd.s32 $0xFFFFC000  }
0xd0: {  	[spmem:s1] =	stream.indirect.scatter.add.bf16 [tilespmem:s13], [sflag:$0x3], $0x80, s9, s12, $0xb8;
	[tilespmem:$0x1D000] =	vst v63  }
0xd1: {  	_ =	swait.ge [sflag:s10], $0x4000  }
0xd2: {  	[sflag:s10] =	ssyncset.done $0x0  }
0xd3: {  	s9 =	rddreg [dreg:$0x9];
	[sflag:s10] =	ssyncadd.s32 $0xFFFFC000  }
0xd4: {  	[tilespmem:s13], [sflag:$0x1] =	stream.indirect.gather [hbm4b:s4+s12], $0x80, s9, s12, $0xb8;
	[tilespmem:$0x1D000] =	vst v63  }
0xd5: {  	_ =	swait.ge [sflag:s16], $0x4000  }
0xd6: {  	[sflag:s16] =	ssyncset.done $0x0  }
0xd7: {  	s9 =	rddreg [dreg:$0xa];
	[sflag:s16] =	ssyncadd.s32 $0xFFFFC000  }
0xd8: {  	[spmem:s1] =	stream.indirect.scatter.add.bf16 [tilespmem:s14], [sflag:$0x3], $0x80, s9, s12, $0xb8;
	[tilespmem:$0x1D000] =	vst v63  }
0xd9: {  	_ =	swait.ge [sflag:s10], $0x4000  }
0xda: {  	[sflag:s10] =	ssyncset.done $0x0  }
0xdb: {  	s9 =	rddreg [dreg:$0xb];
	[sflag:s10] =	ssyncadd.s32 $0xFFFFC000  }
0xdc: {  	[tilespmem:s14], [sflag:$0x2] =	stream.indirect.gather [hbm4b:s4+s12], $0x80, s9, s12, $0xb8;
	[tilespmem:$0x1D000] =	vst v63  }
0xdd: {  	_ =	swait.ge [sflag:s15], $0x4000  }
0xde: {  	[sflag:s15] =	ssyncset.done $0x0  }
0xdf: {  	s9 =	rddreg [dreg:$0xc];
	[sflag:s15] =	ssyncadd.s32 $0xFFFFC000  }
0xe0: {  	[spmem:s1] =	stream.indirect.scatter.add.bf16 [tilespmem:s13], [sflag:$0x3], $0x80, s9, s12, $0xb8;
	[tilespmem:$0x1D000] =	vst v63  }
0xe1: {  	_ =	swait.ge [sflag:s10], $0x4000  }
0xe2: {  	[sflag:s10] =	ssyncset.done $0x0  }
0xe3: {  	s9 =	rddreg [dreg:$0xd];
	[sflag:s10] =	ssyncadd.s32 $0xFFFFC000  }
0xe4: {  	[tilespmem:s13], [sflag:$0x1] =	stream.indirect.gather [hbm4b:s4+s12], $0x80, s9, s12, $0xb8;
	[tilespmem:$0x1D000] =	vst v63  }
0xe5: {  	_ =	swait.ge [sflag:s16], $0x4000  }
0xe6: {  	[sflag:s16] =	ssyncset.done $0x0  }
0xe7: {  	s9 =	rddreg [dreg:$0xe];
	[sflag:s16] =	ssyncadd.s32 $0xFFFFC000  }
0xe8: {  	[spmem:s1] =	stream.indirect.scatter.add.bf16 [tilespmem:s14], [sflag:$0x3], $0x80, s9, s12, $0xb8;
	[tilespmem:$0x1D000] =	vst v63  }
0xe9: {  	_ =	swait.ge [sflag:s10], $0x4000  }
0xea: {  	[sflag:s10] =	ssyncset.done $0x0  }
0xeb: {  	s9 =	rddreg [dreg:$0xf];
	[sflag:s10] =	ssyncadd.s32 $0xFFFFC000  }
0xec: {  	[tilespmem:s14], [sflag:$0x2] =	stream.indirect.gather [hbm4b:s4+s12], $0x80, s9, s12, $0xb8;
	[tilespmem:$0x1D000] =	vst v63  }
0xed: {  	_ =	swait.ge [sflag:s15], $0x4000  }
0xee: {  	[sflag:s15] =	ssyncset.done $0x0  }
0xef: {  	s9 =	rddreg [dreg:$0x10];
	[sflag:s15] =	ssyncadd.s32 $0xFFFFC000  }
0xf0: {  	[spmem:s1] =	stream.indirect.scatter.add.bf16 [tilespmem:s13], [sflag:$0x3], $0x80, s9, s12, $0xb8;
	[tilespmem:$0x1D000] =	vst v63  }
0xf1: {  	_ =	swait.ge [sflag:s10], $0x4000  }
0xf2: {  	[sflag:s10] =	ssyncset.done $0x0  }
0xf3: {  	[sflag:s10] =	ssyncadd.s32 $0xFFFFC000  }
0xf4: {  	[tilespmem:s13], [sflag:$0x1] =	stream.indirect.gather [hbm4b:s4+s12], $0x80, s17, s12, $0xb8;
	[tilespmem:$0x1D000] =	vst v63  }
0xf5: {  	_ =	swait.ge [sflag:s16], $0x4000  }
0xf6: {  	[sflag:s16] =	ssyncset.done $0x0  }
0xf7: {  	[sflag:s16] =	ssyncadd.s32 $0xFFFFC000  }
0xf8: {  	[spmem:s1] =	stream.indirect.scatter.add.bf16 [tilespmem:s14], [sflag:$0x3], $0x80, s18, s12, $0xb8;
	[tilespmem:$0x1D000] =	vst v63  }
0xf9: {  	_ =	swait.ge [sflag:s10], $0x4000  }
0xfa: {  	[sflag:s10] =	ssyncset.done $0x0  }
0xfb: {  	[sflag:s10] =	ssyncadd.s32 $0xFFFFC000  }
0xfc: {  	[tilespmem:s14], [sflag:$0x2] =	stream.indirect.gather [hbm4b:s4+s12], $0x80, s19, s12, $0xb8;
	[tilespmem:$0x1D000] =	vst v63  }
0xfd: {  	_ =	swait.ge [sflag:s15], $0x4000  }
0xfe: {  	[sflag:s15] =	ssyncset.done $0x0  }
0xff: {  	[sflag:s15] =	ssyncadd.s32 $0xFFFFC000  }
0x100: {  	[spmem:s1] =	stream.indirect.scatter.add.bf16 [tilespmem:s13], [sflag:$0x3], $0x80, s20, s12, $0xb8;
	[tilespmem:$0x1D000] =	vst v63  }
0x101: {  	_ =	swait.ge [sflag:s10], $0x4000  }
0x102: {  	[sflag:s10] =	ssyncset.done $0x0  }
0x103: {  	[sflag:s10] =	ssyncadd.s32 $0xFFFFC000  }
0x104: {  	[tilespmem:s13], [sflag:$0x1] =	stream.indirect.gather [hbm4b:s4+s12], $0x80, s21, s12, $0xb8;
	[tilespmem:$0x1D000] =	vst v63  }
0x105: {  	_ =	swait.ge [sflag:s16], $0x4000  }
0x106: {  	[sflag:s16] =	ssyncset.done $0x0  }
0x107: {  	[sflag:s16] =	ssyncadd.s32 $0xFFFFC000  }
0x108: {  	[spmem:s1] =	stream.indirect.scatter.add.bf16 [tilespmem:s14], [sflag:$0x3], $0x80, s22, s12, $0xb8;
	[tilespmem:$0x1D000] =	vst v63  }
0x109: {  	_ =	swait.ge [sflag:s10], $0x4000  }
0x10a: {  	[sflag:s10] =	ssyncset.done $0x0  }
0x10b: {  	[sflag:s10] =	ssyncadd.s32 $0xFFFFC000  }
0x10c: {  	[tilespmem:s14], [sflag:$0x2] =	stream.indirect.gather [hbm4b:s4+s12], $0x80, s23, s12, $0xb8;
	[tilespmem:$0x1D000] =	vst v63  }
0x10d: {  	_ =	swait.ge [sflag:s15], $0x4000  }
0x10e: {  	[sflag:s15] =	ssyncset.done $0x0  }
0x10f: {  	[sflag:s15] =	ssyncadd.s32 $0xFFFFC000  }
0x110: {  	[spmem:s1] =	stream.indirect.scatter.add.bf16 [tilespmem:s13], [sflag:$0x3], $0x80, s24, s12, $0xb8;
	[tilespmem:$0x1D000] =	vst v63  }
0x111: {  	_ =	swait.ge [sflag:s10], $0x4000  }
0x112: {  	[sflag:s10] =	ssyncset.done $0x0  }
0x113: {  	[sflag:s10] =	ssyncadd.s32 $0xFFFFC000  }
0x114: {  	[tilespmem:s13], [sflag:$0x1] =	stream.indirect.gather [hbm4b:s4+s12], $0x80, s25, s12, $0xb8;
	[tilespmem:$0x1D000] =	vst v63  }
0x115: {  	_ =	swait.ge [sflag:s16], $0x4000  }
0x116: {  	[sflag:s16] =	ssyncset.done $0x0  }
0x117: {  	[sflag:s16] =	ssyncadd.s32 $0xFFFFC000  }
0x118: {  	[spmem:s1] =	stream.indirect.scatter.add.bf16 [tilespmem:s14], [sflag:$0x3], $0x80, s26, s12, $0xb8;
	[tilespmem:$0x1D000] =	vst v63  }
0x119: {  	_ =	swait.ge [sflag:s10], $0x4000  }
0x11a: {  	[sflag:s10] =	ssyncset.done $0x0  }
0x11b: {  	[sflag:s10] =	ssyncadd.s32 $0xFFFFC000  }
0x11c: {  	[tilespmem:s14], [sflag:$0x2] =	stream.indirect.gather [hbm4b:s4+s12], $0x80, s28, s12, $0xb8;
	[tilespmem:$0x1D000] =	vst v63  }
0x11d: {  	_ =	swait.ge [sflag:s15], $0x4000  }
0x11e: {  	[sflag:s15] =	ssyncset.done $0x0  }
0x11f: {  	[sflag:s15] =	ssyncadd.s32 $0xFFFFC000  }
0x120: {  	[spmem:s1] =	stream.indirect.scatter.add.bf16 [tilespmem:s13], [sflag:$0x3], $0x80, s29, s12, $0xb8;
	[tilespmem:$0x1D000] =	vst v63  }
0x121: {  	_ =	swait.ge [sflag:s10], $0x4000  }
0x122: {  	[sflag:s10] =	ssyncset.done $0x0  }
0x123: {  	[sflag:s10] =	ssyncadd.s32 $0xFFFFC000  }
0x124: {  	[tilespmem:s13], [sflag:$0x1] =	stream.indirect.gather [hbm4b:s4+s12], $0x80, s30, s12, $0xb8;
	[tilespmem:$0x1D000] =	vst v63  }
0x125: {  	_ =	swait.ge [sflag:s16], $0x4000  }
0x126: {  	[sflag:s16] =	ssyncset.done $0x0  }
0x127: {  	[sflag:s16] =	ssyncadd.s32 $0xFFFFC000  }
0x128: {  	[spmem:s1] =	stream.indirect.scatter.add.bf16 [tilespmem:s14], [sflag:$0x3], $0x80, s31, s12, $0xb8;
	[tilespmem:$0x1D000] =	vst v63  }
0x129: {  	_ =	swait.ge [sflag:s10], $0x4000  }
0x12a: {  	[sflag:s10] =	ssyncset.done $0x0  }
0x12b: {  	[sflag:s10] =	ssyncadd.s32 $0xFFFFC000  }
0x12c: {  	[tilespmem:s14], [sflag:$0x2] =	stream.indirect.gather [hbm4b:s4+s12], $0x80, s0, s12, $0xb8;
	[tilespmem:$0x1D000] =	vst v63  }
0x12d: {  	_ =	swait.ge [sflag:s15], $0x4000  }
0x12e: {  	[sflag:s15] =	ssyncset.done $0x0  }
0x12f: {  	[sflag:s15] =	ssyncadd.s32 $0xFFFFC000  }
0x130: {  	[spmem:s1] =	stream.indirect.scatter.add.bf16 [tilespmem:s13], [sflag:$0x3], $0x80, s3, s12, $0xb8;
	[tilespmem:$0x1D000] =	vst v63  }
0x131: {  	_ =	swait.ge [sflag:s10], $0x4000  }
0x132: {  	[sflag:s10] =	ssyncset.done $0x0  }
0x133: {  	[sflag:s10] =	ssyncadd.s32 $0xFFFFC000  }
0x134: {  	p0 =	sne.s32 s7, $0x400;
	_ =	swait.ge [sflag:s16], $0x4000  }
.Ltmp0:
0x135: {  	[sflag:s16] =	ssyncset.done $0x0;
	(pc) =	sbr.rel @p0 .LBB2_2-.Ltmp0, $4  }
0x136: {  	[sflag:s16] =	ssyncadd.s32 $0xFFFFC000  }
0x137: {  	[spmem:s1] =	stream.indirect.scatter.add.bf16 [tilespmem:s14], [sflag:$0x3], $0x80, s5, s12, $0xb8;
	[tilespmem:$0x1D000] =	vst v63  }
0x138: {  	s6 =	smov.u32 s7;
	s7 =	sadd.s32 $0x100, s7;
	_ =	swait.ge [sflag:s10], $0x4000  }
0x139: {  	s8 =	smov.u32 s6;
	s9 =	rddreg [dreg:$0x3];
	[sflag:s10] =	ssyncset.done $0x0  }
0x13a: {  	[sflag:s10] =	ssyncadd.s32 $0xFFFFC000;
	s6 =	sadd.s32 s8, s9  }
0x13b: {  	[tilespmem:s2], [sflag:$0x3] =	stream.linear.gather [hbm4b:s6+s2], $0x800, $0x38;
	[tilespmem:$0x1D000] =	vst v63  }
0x13c: {  	_ =	swait.ge [sflag:s10], $0x800  }
0x13d: {  	s7 =	rddreg [dreg:$0x4];
	[sflag:s10] =	ssyncset.done $0x0  }
0x13e: {  	s6 =	sadd.s32 s8, s7;
	[sflag:s10] =	ssyncadd.s32 $0xFFFFF800  }
0x13f: {  	[tilespmem:s11], [sflag:$0x3] =	stream.linear.gather [hbm4b:s6+s2], $0x800, $0x38;
	[tilespmem:$0x1D000] =	vst v63  }
0x140: {  	_ =	swait.ge [sflag:s10], $0x800  }
0x141: {  	[sflag:s10] =	ssyncset.done $0x0  }
0x142: {  	[sflag:s10] =	ssyncadd.s32 $0xFFFFF800  }
0x143: {  	[tilespmem:s13], [sflag:$0x1] =	stream.indirect.gather [hbm4b:s4+s12], $0x80, s2, s12, $0xb8;
	[tilespmem:$0x1D000] =	vst v63  }
0x144: {  	_ = 	snop  }
0x145: {  	[tilespmem:s14], [sflag:$0x2] =	stream.indirect.gather [hbm4b:s4+s12], $0x80, s12, s12, $0xb8;
	[tilespmem:$0x1D000] =	vst v63  }
0x146: {  	_ =	swait.ge [sflag:s15], $0x4000  }
0x147: {  	[sflag:s15] =	ssyncset.done $0x0  }
0x148: {  	[sflag:s15] =	ssyncadd.s32 $0xFFFFC000  }
0x149: {  	[spmem:s1] =	stream.indirect.scatter.add.bf16 [tilespmem:s13], [sflag:$0x3], $0x80, s11, s12, $0xb8;
	[tilespmem:$0x1D000] =	vst v63  }
0x14a: {  	_ =	swait.ge [sflag:s10], $0x4000  }
0x14b: {  	[sflag:s10] =	ssyncset.done $0x0  }
0x14c: {  	s9 =	rddreg [dreg:$0x5];
	[sflag:s10] =	ssyncadd.s32 $0xFFFFC000  }
0x14d: {  	[tilespmem:s13], [sflag:$0x1] =	stream.indirect.gather [hbm4b:s4+s12], $0x80, s9, s12, $0xb8;
	[tilespmem:$0x1D000] =	vst v63  }
0x14e: {  	_ =	swait.ge [sflag:s16], $0x4000  }
0x14f: {  	[sflag:s16] =	ssyncset.done $0x0  }
0x150: {  	s7 =	rddreg [dreg:$0x6];
	[sflag:s16] =	ssyncadd.s32 $0xFFFFC000  }
0x151: {  	[spmem:s1] =	stream.indirect.scatter.add.bf16 [tilespmem:s14], [sflag:$0x3], $0x80, s7, s12, $0xb8;
	[tilespmem:$0x1D000] =	vst v63  }
0x152: {  	_ =	swait.ge [sflag:s10], $0x4000  }
0x153: {  	[sflag:s10] =	ssyncset.done $0x0  }
0x154: {  	s8 =	rddreg [dreg:$0x7];
	[sflag:s10] =	ssyncadd.s32 $0xFFFFC000  }
0x155: {  	[tilespmem:s14], [sflag:$0x2] =	stream.indirect.gather [hbm4b:s4+s12], $0x80, s8, s12, $0xb8;
	[tilespmem:$0x1D000] =	vst v63  }
0x156: {  	_ =	swait.ge [sflag:s15], $0x4000  }
0x157: {  	[sflag:s15] =	ssyncset.done $0x0  }
0x158: {  	s9 =	rddreg [dreg:$0x8];
	[sflag:s15] =	ssyncadd.s32 $0xFFFFC000  }
0x159: {  	[spmem:s1] =	stream.indirect.scatter.add.bf16 [tilespmem:s13], [sflag:$0x3], $0x80, s9, s12, $0xb8;
	[tilespmem:$0x1D000] =	vst v63  }
0x15a: {  	_ =	swait.ge [sflag:s10], $0x4000  }
0x15b: {  	[sflag:s10] =	ssyncset.done $0x0  }
0x15c: {  	s7 =	rddreg [dreg:$0x9];
	[sflag:s10] =	ssyncadd.s32 $0xFFFFC000  }
0x15d: {  	[tilespmem:s13], [sflag:$0x1] =	stream.indirect.gather [hbm4b:s4+s12], $0x80, s7, s12, $0xb8;
	[tilespmem:$0x1D000] =	vst v63  }
0x15e: {  	_ =	swait.ge [sflag:s16], $0x4000  }
0x15f: {  	[sflag:s16] =	ssyncset.done $0x0  }
0x160: {  	s8 =	rddreg [dreg:$0xa];
	[sflag:s16] =	ssyncadd.s32 $0xFFFFC000  }
0x161: {  	[spmem:s1] =	stream.indirect.scatter.add.bf16 [tilespmem:s14], [sflag:$0x3], $0x80, s8, s12, $0xb8;
	[tilespmem:$0x1D000] =	vst v63  }
0x162: {  	_ =	swait.ge [sflag:s10], $0x4000  }
0x163: {  	[sflag:s10] =	ssyncset.done $0x0  }
0x164: {  	s9 =	rddreg [dreg:$0xb];
	[sflag:s10] =	ssyncadd.s32 $0xFFFFC000  }
0x165: {  	[tilespmem:s14], [sflag:$0x2] =	stream.indirect.gather [hbm4b:s4+s12], $0x80, s9, s12, $0xb8;
	[tilespmem:$0x1D000] =	vst v63  }
0x166: {  	_ =	swait.ge [sflag:s15], $0x4000  }
0x167: {  	[sflag:s15] =	ssyncset.done $0x0  }
0x168: {  	s7 =	rddreg [dreg:$0xc];
	[sflag:s15] =	ssyncadd.s32 $0xFFFFC000  }
0x169: {  	[spmem:s1] =	stream.indirect.scatter.add.bf16 [tilespmem:s13], [sflag:$0x3], $0x80, s7, s12, $0xb8;
	[tilespmem:$0x1D000] =	vst v63  }
0x16a: {  	_ =	swait.ge [sflag:s10], $0x4000  }
0x16b: {  	[sflag:s10] =	ssyncset.done $0x0  }
0x16c: {  	s8 =	rddreg [dreg:$0xd];
	[sflag:s10] =	ssyncadd.s32 $0xFFFFC000  }
0x16d: {  	[tilespmem:s13], [sflag:$0x1] =	stream.indirect.gather [hbm4b:s4+s12], $0x80, s8, s12, $0xb8;
	[tilespmem:$0x1D000] =	vst v63  }
0x16e: {  	_ =	swait.ge [sflag:s16], $0x4000  }
0x16f: {  	[sflag:s16] =	ssyncset.done $0x0  }
0x170: {  	s9 =	rddreg [dreg:$0xe];
	[sflag:s16] =	ssyncadd.s32 $0xFFFFC000  }
0x171: {  	[spmem:s1] =	stream.indirect.scatter.add.bf16 [tilespmem:s14], [sflag:$0x3], $0x80, s9, s12, $0xb8;
	[tilespmem:$0x1D000] =	vst v63  }
0x172: {  	_ =	swait.ge [sflag:s10], $0x4000  }
0x173: {  	[sflag:s10] =	ssyncset.done $0x0  }
0x174: {  	s7 =	rddreg [dreg:$0xf];
	[sflag:s10] =	ssyncadd.s32 $0xFFFFC000  }
0x175: {  	[tilespmem:s14], [sflag:$0x2] =	stream.indirect.gather [hbm4b:s4+s12], $0x80, s7, s12, $0xb8;
	[tilespmem:$0x1D000] =	vst v63  }
0x176: {  	_ =	swait.ge [sflag:s15], $0x4000  }
0x177: {  	[sflag:s15] =	ssyncset.done $0x0  }
0x178: {  	s8 =	rddreg [dreg:$0x10];
	[sflag:s15] =	ssyncadd.s32 $0xFFFFC000  }
0x179: {  	[spmem:s1] =	stream.indirect.scatter.add.bf16 [tilespmem:s13], [sflag:$0x3], $0x80, s8, s12, $0xb8;
	[tilespmem:$0x1D000] =	vst v63  }
0x17a: {  	_ =	swait.ge [sflag:s10], $0x4000  }
0x17b: {  	[sflag:s10] =	ssyncset.done $0x0  }
0x17c: {  	[sflag:s10] =	ssyncadd.s32 $0xFFFFC000  }
0x17d: {  	[tilespmem:s13], [sflag:$0x1] =	stream.indirect.gather [hbm4b:s4+s12], $0x80, s17, s12, $0xb8;
	[tilespmem:$0x1D000] =	vst v63  }
0x17e: {  	_ =	swait.ge [sflag:s16], $0x4000  }
0x17f: {  	[sflag:s16] =	ssyncset.done $0x0  }
0x180: {  	[sflag:s16] =	ssyncadd.s32 $0xFFFFC000  }
0x181: {  	[spmem:s1] =	stream.indirect.scatter.add.bf16 [tilespmem:s14], [sflag:$0x3], $0x80, s18, s12, $0xb8;
	[tilespmem:$0x1D000] =	vst v63  }
0x182: {  	_ =	swait.ge [sflag:s10], $0x4000  }
0x183: {  	[sflag:s10] =	ssyncset.done $0x0  }
0x184: {  	[sflag:s10] =	ssyncadd.s32 $0xFFFFC000  }
0x185: {  	[tilespmem:s14], [sflag:$0x2] =	stream.indirect.gather [hbm4b:s4+s12], $0x80, s19, s12, $0xb8;
	[tilespmem:$0x1D000] =	vst v63  }
0x186: {  	_ =	swait.ge [sflag:s15], $0x4000  }
0x187: {  	[sflag:s15] =	ssyncset.done $0x0  }
0x188: {  	[sflag:s15] =	ssyncadd.s32 $0xFFFFC000  }
0x189: {  	[spmem:s1] =	stream.indirect.scatter.add.bf16 [tilespmem:s13], [sflag:$0x3], $0x80, s20, s12, $0xb8;
	[tilespmem:$0x1D000] =	vst v63  }
0x18a: {  	_ =	swait.ge [sflag:s10], $0x4000  }
0x18b: {  	[sflag:s10] =	ssyncset.done $0x0  }
0x18c: {  	[sflag:s10] =	ssyncadd.s32 $0xFFFFC000  }
0x18d: {  	[tilespmem:s13], [sflag:$0x1] =	stream.indirect.gather [hbm4b:s4+s12], $0x80, s21, s12, $0xb8;
	[tilespmem:$0x1D000] =	vst v63  }
0x18e: {  	_ =	swait.ge [sflag:s16], $0x4000  }
0x18f: {  	[sflag:s16] =	ssyncset.done $0x0  }
0x190: {  	[sflag:s16] =	ssyncadd.s32 $0xFFFFC000  }
0x191: {  	[spmem:s1] =	stream.indirect.scatter.add.bf16 [tilespmem:s14], [sflag:$0x3], $0x80, s22, s12, $0xb8;
	[tilespmem:$0x1D000] =	vst v63  }
0x192: {  	_ =	swait.ge [sflag:s10], $0x4000  }
0x193: {  	[sflag:s10] =	ssyncset.done $0x0  }
0x194: {  	[sflag:s10] =	ssyncadd.s32 $0xFFFFC000  }
0x195: {  	[tilespmem:s14], [sflag:$0x2] =	stream.indirect.gather [hbm4b:s4+s12], $0x80, s23, s12, $0xb8;
	[tilespmem:$0x1D000] =	vst v63  }
0x196: {  	_ =	swait.ge [sflag:s15], $0x4000  }
0x197: {  	[sflag:s15] =	ssyncset.done $0x0  }
0x198: {  	[sflag:s15] =	ssyncadd.s32 $0xFFFFC000  }
0x199: {  	[spmem:s1] =	stream.indirect.scatter.add.bf16 [tilespmem:s13], [sflag:$0x3], $0x80, s24, s12, $0xb8;
	[tilespmem:$0x1D000] =	vst v63  }
0x19a: {  	_ =	swait.ge [sflag:s10], $0x4000  }
0x19b: {  	[sflag:s10] =	ssyncset.done $0x0  }
0x19c: {  	[sflag:s10] =	ssyncadd.s32 $0xFFFFC000  }
0x19d: {  	[tilespmem:s13], [sflag:$0x1] =	stream.indirect.gather [hbm4b:s4+s12], $0x80, s25, s12, $0xb8;
	[tilespmem:$0x1D000] =	vst v63  }
0x19e: {  	_ =	swait.ge [sflag:s16], $0x4000  }
0x19f: {  	[sflag:s16] =	ssyncset.done $0x0  }
0x1a0: {  	[sflag:s16] =	ssyncadd.s32 $0xFFFFC000  }
0x1a1: {  	[spmem:s1] =	stream.indirect.scatter.add.bf16 [tilespmem:s14], [sflag:$0x3], $0x80, s26, s12, $0xb8;
	[tilespmem:$0x1D000] =	vst v63  }
0x1a2: {  	_ =	swait.ge [sflag:s10], $0x4000  }
0x1a3: {  	[sflag:s10] =	ssyncset.done $0x0  }
0x1a4: {  	[sflag:s10] =	ssyncadd.s32 $0xFFFFC000  }
0x1a5: {  	[tilespmem:s14], [sflag:$0x2] =	stream.indirect.gather [hbm4b:s4+s12], $0x80, s28, s12, $0xb8;
	[tilespmem:$0x1D000] =	vst v63  }
0x1a6: {  	_ =	swait.ge [sflag:s15], $0x4000  }
0x1a7: {  	[sflag:s15] =	ssyncset.done $0x0  }
0x1a8: {  	[sflag:s15] =	ssyncadd.s32 $0xFFFFC000  }
0x1a9: {  	[spmem:s1] =	stream.indirect.scatter.add.bf16 [tilespmem:s13], [sflag:$0x3], $0x80, s29, s12, $0xb8;
	[tilespmem:$0x1D000] =	vst v63  }
0x1aa: {  	_ =	swait.ge [sflag:s10], $0x4000  }
0x1ab: {  	[sflag:s10] =	ssyncset.done $0x0  }
0x1ac: {  	[sflag:s10] =	ssyncadd.s32 $0xFFFFC000  }
0x1ad: {  	[tilespmem:s13], [sflag:$0x1] =	stream.indirect.gather [hbm4b:s4+s12], $0x80, s30, s12, $0xb8;
	[tilespmem:$0x1D000] =	vst v63  }
0x1ae: {  	_ =	swait.ge [sflag:s16], $0x4000  }
0x1af: {  	[sflag:s16] =	ssyncset.done $0x0  }
0x1b0: {  	[sflag:s16] =	ssyncadd.s32 $0xFFFFC000  }
0x1b1: {  	[spmem:s1] =	stream.indirect.scatter.add.bf16 [tilespmem:s14], [sflag:$0x3], $0x80, s31, s12, $0xb8;
	[tilespmem:$0x1D000] =	vst v63  }
0x1b2: {  	_ =	swait.ge [sflag:s10], $0x4000  }
0x1b3: {  	[sflag:s10] =	ssyncset.done $0x0  }
0x1b4: {  	[sflag:s10] =	ssyncadd.s32 $0xFFFFC000  }
0x1b5: {  	[tilespmem:s14], [sflag:$0x2] =	stream.indirect.gather [hbm4b:s4+s12], $0x80, s0, s12, $0xb8;
	[tilespmem:$0x1D000] =	vst v63  }
0x1b6: {  	_ =	swait.ge [sflag:s15], $0x4000  }
0x1b7: {  	[sflag:s15] =	ssyncset.done $0x0  }
0x1b8: {  	[sflag:s15] =	ssyncadd.s32 $0xFFFFC000  }
0x1b9: {  	[spmem:s1] =	stream.indirect.scatter.add.bf16 [tilespmem:s13], [sflag:$0x3], $0x80, s3, s12, $0xb8;
	[tilespmem:$0x1D000] =	vst v63  }
0x1ba: {  	_ =	swait.ge [sflag:s10], $0x4000  }
0x1bb: {  	[sflag:s10] =	ssyncset.done $0x0  }
0x1bc: {  	[sflag:s10] =	ssyncadd.s32 $0xFFFFC000  }
0x1bd: {  	_ =	swait.ge [sflag:s16], $0x4000  }
0x1be: {  	[sflag:s16] =	ssyncset.done $0x0  }
0x1bf: {  	[sflag:s16] =	ssyncadd.s32 $0xFFFFC000  }
0x1c0: {  	[spmem:s1] =	stream.indirect.scatter.add.bf16 [tilespmem:s14], [sflag:$0x3], $0x80, s5, s12, $0xb8;
	[tilespmem:$0x1D000] =	vst v63  }
0x1c1: {  	_ =	swait.ge [sflag:s10], $0x4000  }
0x1c2: {  	[sflag:s10] =	ssyncset.done $0x0  }
0x1c3: {  	[sflag:s10] =	ssyncadd.s32 $0xFFFFC000  }
0x1c4: {  	[bflag:$0x0] =	sbarrier.arrive $0xFFFF  }
0x1c5: {  	s7 =	rddreg [dreg:$0x13]  }
0x1c6: {  	s9 =	rddreg [dreg:$0x14]  }
0x1c7: {  	s8 =	rddreg [dreg:$0x15]  }
0x1c8: {  	[hbm:s9], [sflag:s7] =	dma.local [spmem:s8], $0x2800  }
0x1c9: {  	_ =	swait.ge [sflag:s10], $0x2800  }
0x1ca: {  	s6 =	rddreg [dreg:$0x16]  }
0x1cb: {  	s9 =	sadd.s32 $0x1, s6;
	s6 =	rddreg [dreg:$0x11]  }
0x1cc: {  	p0 =	sne.s32 s9, s6  }
.Ltmp1:
0x1cd: {  	_ = 	snop;
	(pc) =	sbr.rel @p0 .LBB2_1-.Ltmp1, $3  }
0x1ce: {  	_ =	sdelay $0x1  }
0x1cf: {  	[sflag:s10] =	ssyncset.done $0x0  }
0x1d0: {  	[sflag:s10] =	ssyncadd.s32 $0xFFFFD800  }
0x1d1: {  	_ =	sfence.sel $0x180000  }
0x1d2: {  	[bflag:$0x0] =	sbarrier.arrive $0xFFFF  }
0x1d3: {  	_ =	strace $0x90000047  }
0x1d4: {  	s0 =	stileid.u32;
	[bflag:$0x2] =	sbarrier.arrive $0xFFFF  }
0x1d5: {  	p0 =	sne.s32 s0, $0x0;
	s0 =	rddreg [dreg:$0x2]  }
0x1d6: {  	s0 =	sadd.s32 @!p0 $0x100000, s0  }
0x1d7: {  	[sflag:s0] =	ssyncadd.tile.s32 @!p0 $0x1;
	_ =	shalt  }
.Lfunc_end2:
_tile_overlayer_lowered:
.L_overlay_start_2:
0x1d8: {  	(tag) =	ssettag $0x2  }
0x1d9: {  	s0 =	rddreg [dreg:$0x0];
	s2 =	stileid.u32  }
0x1da: {  	s1 =	rddreg [dreg:$0x1];
	p0 =	sne.s32 s2, $0x0  }
0x1db: {  	s3 =	rddreg [dreg:$0x2];
	[bflag:$0x3] =	sbarrier.arrive $0xFFFF;
	s2 =	simm.s32 @!p0 $0x1C03  }
0x1dc: {  	[timem:s3], [sflag:s2] =	dma.local @!p0 [hbm:s0], s1  }
0x1dd: {  	s0 =	simm.s32 @!p0 $0x3  }
0x1de: {  	_ =	swait.ge @!p0 [sflag:s0], s1  }
0x1df: {  	s1 =	ssub.s32 @!p0 $0x0, s1;
	[sflag:s0] =	ssyncset.done @!p0 $0x0  }
0x1e0: {  	[sflag:s0] =	ssyncadd.s32 @!p0 s1  }
0x1e1: {  	[bflag:$0x3] =	sbarrier.arrive $0xFFFF  }
0x1e2: {  	_ =	shalt  }

</sc_bundles>
